<compile_context>
chip_gen: v7x
topology: tpu7x:2x2x1
jax: 0.10.2.dev20260603
libtpu: 0.0.44.dev20260713+nightly
codegen_flags: <defaults>
</compile_context>

<pallas_src>
import functools

import jax
import jax.numpy as jnp
from jax import lax
from jax.experimental import pallas as pl
from jax.experimental.pallas import tpu as pltpu
from jax.experimental.pallas import tpu_sc as plsc

N_NODES = 10000
N_EDGES = 320000
D = 128
DH = D // 2
NUM_CLASSES = 7

NC = 2
NS = 16
EPT = N_EDGES // NS
K = 80
NCHUNK = EPT // K
NB = 5
ROWS_PER_TILE = N_NODES // NS


@functools.cache
def _build_sc_aggregate():
    mesh = plsc.VectorSubcoreMesh(core_axis_name="c", subcore_axis_name="s",
                                  num_cores=NC, num_subcores=NS)
    return functools.partial(
        pl.kernel,
        mesh=mesh,
        out_type=jax.ShapeDtypeStruct((NC, N_NODES, DH), jnp.float32),
        scratch_types=[
            pltpu.VMEM((NCHUNK, K), jnp.int32),
            pltpu.VMEM((NCHUNK, K), jnp.int32),
            pltpu.VMEM((NB, K, DH), jnp.float32),
            pltpu.VMEM_SHARED((N_NODES, DH), jnp.float32),
            pltpu.SemaphoreType.DMA,
            pltpu.SemaphoreType.DMA,
            pltpu.SemaphoreType.DMA,
            pltpu.SemaphoreType.DMA,
            pltpu.SemaphoreType.DMA,
            pltpu.SemaphoreType.DMA,
            pltpu.SemaphoreType.DMA,
            pltpu.SemaphoreType.DMA,
            pltpu.SemaphoreType.DMA,
            pltpu.SemaphoreType.DMA,
        ],
        compiler_params=pltpu.CompilerParams(use_tc_tiling_on_sc=False),
    )(_sc_aggregate_body)


def _sc_aggregate_body(hh_hbm, src_hbm, dst_hbm, zeros_hbm, out_hbm,
                       src_v, dst_v, rows_v, agg_sh,
                       gsem0, gsem1, gsem2, gsem3, gsem4,
                       ssem0, ssem1, ssem2, ssem3, ssem4):
    c = lax.axis_index("c")
    s = lax.axis_index("s")
    gsems = (gsem0, gsem1, gsem2, gsem3, gsem4)
    ssems = (ssem0, ssem1, ssem2, ssem3, ssem4)

    h_hbm = hh_hbm.at[c]

    pltpu.sync_copy(src_hbm.at[s], src_v)
    pltpu.sync_copy(dst_hbm.at[s], dst_v)
    pltpu.sync_copy(zeros_hbm,
                    agg_sh.at[pl.ds(s * ROWS_PER_TILE, ROWS_PER_TILE)])
    plsc.subcore_barrier()

    for b in range(NB):
        pltpu.async_copy(h_hbm.at[src_v.at[b]], rows_v.at[b], gsems[b])

    def body(jj, carry):
        del carry
        for b in range(NB):
            j = NB * jj + b
            pltpu.make_async_copy(h_hbm.at[src_v.at[j]], rows_v.at[b],
                                  gsems[b]).wait()
            cp = pltpu.async_copy(rows_v.at[b], agg_sh.at[dst_v.at[j]],
                                  ssems[b], add=True)
            cp.wait()

            @pl.when(j + NB < NCHUNK)
            def _():
                pltpu.async_copy(h_hbm.at[src_v.at[j + NB]], rows_v.at[b],
                                 gsems[b])
        return 0

    lax.fori_loop(0, NCHUNK // NB, body, 0)

    plsc.subcore_barrier()
    pltpu.sync_copy(agg_sh.at[pl.ds(s * 624, 624)],
                    out_hbm.at[c, pl.ds(s * 624, 624)])

    @pl.when(s == NS - 1)
    def _():
        pltpu.sync_copy(agg_sh.at[pl.ds(16 * 624, N_NODES - 16 * 624)],
                        out_hbm.at[c, pl.ds(16 * 624, N_NODES - 16 * 624)])


def _mlp_body(h_ref, a0_ref, a1_ref, w1_ref, b1_ref, w2_ref, b2_ref,
              out_ref, outh_ref):
    z = h_ref[...] + jnp.concatenate((a0_ref[...], a1_ref[...]), axis=1)
    t = jnp.dot(z, w1_ref[...], preferred_element_type=jnp.float32) + b1_ref[...]
    t = jnp.maximum(t, 0.0)
    o = jnp.dot(t, w2_ref[...], preferred_element_type=jnp.float32) + b2_ref[...]
    o = jnp.maximum(o, 0.0)
    out_ref[...] = o
    outh_ref[0] = o[:, :DH]
    outh_ref[1] = o[:, DH:]


def _head_body(h_ref, a0_ref, a1_ref, w1_ref, b1_ref, w2_ref, b2_ref,
               wc1_ref, bc1_ref, wc2_ref, bc2_ref, out_ref):
    z = h_ref[...] + jnp.concatenate((a0_ref[...], a1_ref[...]), axis=1)
    t = jnp.dot(z, w1_ref[...], preferred_element_type=jnp.float32) + b1_ref[...]
    t = jnp.maximum(t, 0.0)
    h2 = jnp.dot(t, w2_ref[...], preferred_element_type=jnp.float32) + b2_ref[...]
    h2 = jnp.maximum(h2, 0.0)
    hc = jnp.dot(h2, wc1_ref[...], preferred_element_type=jnp.float32) + bc1_ref[...]
    hc = jnp.maximum(hc, 0.0)
    out_ref[...] = jnp.dot(hc, wc2_ref[...], preferred_element_type=jnp.float32) + bc2_ref[...]


_ROW_BLK = 10000


def _row_spec():
    return pl.BlockSpec((_ROW_BLK, D), lambda i: (i, 0))


def _half_spec():
    return pl.BlockSpec((_ROW_BLK, DH), lambda i: (i, 0))


def _full_spec():
    return pl.BlockSpec((D, D), lambda i: (0, 0))


def _bias_spec():
    return pl.BlockSpec((1, D), lambda i: (0, 0))


def _tc_mlp(h, a0, a1, w1, b1, w2, b2):
    return pl.pallas_call(
        _mlp_body,
        grid=(N_NODES // _ROW_BLK,),
        in_specs=[_row_spec(), _half_spec(), _half_spec(),
                  _full_spec(), _bias_spec(), _full_spec(), _bias_spec()],
        out_specs=[_row_spec(),
                   pl.BlockSpec((2, _ROW_BLK, DH), lambda i: (0, i, 0))],
        out_shape=[jax.ShapeDtypeStruct((N_NODES, D), jnp.float32),
                   jax.ShapeDtypeStruct((2, N_NODES, DH), jnp.float32)],
    )(h, a0, a1, w1, b1.reshape(1, D), w2, b2.reshape(1, D))


def _tc_head(h, a0, a1, w1, b1, w2, b2, wc1, bc1, wc2p, bc2p):
    return pl.pallas_call(
        _head_body,
        grid=(N_NODES // _ROW_BLK,),
        in_specs=[_row_spec(), _half_spec(), _half_spec(),
                  _full_spec(), _bias_spec(), _full_spec(), _bias_spec(),
                  _full_spec(), _bias_spec(), _full_spec(), _bias_spec()],
        out_specs=_row_spec(),
        out_shape=jax.ShapeDtypeStruct((N_NODES, D), jnp.float32),
    )(h, a0, a1, w1, b1.reshape(1, D), w2, b2.reshape(1, D),
      wc1, bc1.reshape(1, D), wc2p, bc2p)


def kernel(x, edge_index, batch,
           W1_0, b1_0, W2_0, b2_0,
           W1_1, b1_1, W2_1, b2_1,
           Wc1, bc1, Wc2, bc2):
    del batch
    src = edge_index[0].astype(jnp.int32).reshape(NS, NCHUNK, K)
    dst = edge_index[1].astype(jnp.int32).reshape(NS, NCHUNK, K)
    zeros = jnp.zeros((ROWS_PER_TILE, DH), jnp.float32)

    wc2p = jnp.zeros((D, D), jnp.float32).at[:, :NUM_CLASSES].set(Wc2)
    bc2p = jnp.zeros((1, D), jnp.float32).at[0, :NUM_CLASSES].set(bc2)

    sc_aggregate = _build_sc_aggregate()
    xh = x.reshape(N_NODES, NC, DH).transpose(1, 0, 2)
    agg = sc_aggregate(xh, src, dst, zeros)
    h1, h1h = _tc_mlp(x, agg[0], agg[1], W1_0, b1_0, W2_0, b2_0)
    agg = sc_aggregate(h1h, src, dst, zeros)
    logits_p = _tc_head(h1, agg[0], agg[1], W1_1, b1_1, W2_1, b2_1,
                        Wc1, bc1, wc2p, bc2p)
    logits = logits_p[:, :NUM_CLASSES]
    return (logits, jnp.float32(0.0), jnp.float32(0.0))

# --- scband reference (transcript-rebuilt; emitter-appended) ---
"""Pipeline reference for scband-utsnode-classifier-29454885716558 (READ-ONLY COPY).

The authoritative reference and input builder live on the scoring server;
editing this copy changes nothing except your own understanding.
"""

import jax, jax.numpy as jnp
import numpy as np

N_NODES = 10000
N_EDGES = 320000
IN_DIM = 128
HIDDEN = 128
NUM_CLASSES = 7


def setup_inputs(seed: int = 0) -> dict:
    key = jax.random.key(seed)
    ks = jax.random.split(key, 16)
    x = jax.random.normal(ks[0], (N_NODES, IN_DIM), dtype=jnp.float32)
    edge_index = jax.random.randint(ks[1], (2, N_EDGES), 0, N_NODES, dtype=jnp.int64)
    batch = jnp.zeros((N_NODES,), dtype=jnp.int64)
    s_in = 1.0 / np.sqrt(IN_DIM)
    s_h = 1.0 / np.sqrt(HIDDEN)
    # GIN layer 0 MLP: in_dim -> hidden -> hidden
    W1_0 = jax.random.normal(ks[2], (IN_DIM, HIDDEN), dtype=jnp.float32) * s_in
    b1_0 = jnp.zeros((HIDDEN,), dtype=jnp.float32)
    W2_0 = jax.random.normal(ks[3], (HIDDEN, HIDDEN), dtype=jnp.float32) * s_h
    b2_0 = jnp.zeros((HIDDEN,), dtype=jnp.float32)
    # GIN layer 1 MLP: hidden -> hidden -> hidden
    W1_1 = jax.random.normal(ks[4], (HIDDEN, HIDDEN), dtype=jnp.float32) * s_h
    b1_1 = jnp.zeros((HIDDEN,), dtype=jnp.float32)
    W2_1 = jax.random.normal(ks[5], (HIDDEN, HIDDEN), dtype=jnp.float32) * s_h
    b2_1 = jnp.zeros((HIDDEN,), dtype=jnp.float32)
    # node classifier: Linear(hidden, hidden) -> ReLU -> (Dropout eval noop) -> Linear(hidden, num_classes)
    Wc1 = jax.random.normal(ks[6], (HIDDEN, HIDDEN), dtype=jnp.float32) * s_h
    bc1 = jnp.zeros((HIDDEN,), dtype=jnp.float32)
    Wc2 = jax.random.normal(ks[7], (HIDDEN, NUM_CLASSES), dtype=jnp.float32) * s_h
    bc2 = jnp.zeros((NUM_CLASSES,), dtype=jnp.float32)
    return {
        'x': x, 'edge_index': edge_index, 'batch': batch,
        'W1_0': W1_0, 'b1_0': b1_0, 'W2_0': W2_0, 'b2_0': b2_0,
        'W1_1': W1_1, 'b1_1': b1_1, 'W2_1': W2_1, 'b2_1': b2_1,
        'Wc1': Wc1, 'bc1': bc1, 'Wc2': Wc2, 'bc2': bc2,
    }


def _gin_layer(h, src, dst, W1, b1, W2, b2):
    # GIN message passing: sum-aggregate neighbor features into dst nodes
    msgs = jnp.take(h, src, axis=0)                      # gather [E, d]
    agg = jax.ops.segment_sum(msgs, dst, num_segments=N_NODES)  # scatter-add
    z = h + agg                                          # (1 + eps) * h + agg, eps = 0
    z = jnp.maximum(z @ W1 + b1, 0.0)
    z = z @ W2 + b2
    return jnp.maximum(z, 0.0)


def reference(x, edge_index, batch,
              W1_0, b1_0, W2_0, b2_0,
              W1_1, b1_1, W2_1, b2_1,
              Wc1, bc1, Wc2, bc2):
    src = edge_index[0]
    dst = edge_index[1]
    h = _gin_layer(x, src, dst, W1_0, b1_0, W2_0, b2_0)
    h = _gin_layer(h, src, dst, W1_1, b1_1, W2_1, b2_1)
    # node classifier (dropout is a no-op in eval)
    hc = jnp.maximum(h @ Wc1 + bc1, 0.0)
    logits = hc @ Wc2 + bc2
    # lambda_smooth == 0 -> uts_list empty, smooth_loss = 0; nx_graphs is None -> reg_loss = 0
    smooth_loss = jnp.float32(0.0)
    reg_loss = jnp.float32(0.0)
    return (logits, smooth_loss, reg_loss)

if __name__ == "__main__":
    import jax
    _d = setup_inputs()
    print(jax.jit(kernel)(*tuple(_d.values())))

</pallas_src>

<mosaic_0001>
#map = affine_map<(d0, d1) -> (0, 0, 0)>
#map1 = affine_map<(d0, d1) -> (0, 0)>
module attributes {stable_mosaic.version = 14 : i64} {
  func.func @_sc_aggregate_body(%arg0: i32, %arg1: i32, %arg2: memref<2x10000x64xf32, #tpu.memory_space<hbm>>, %arg3: memref<16x250x80xi32, #tpu.memory_space<hbm>>, %arg4: memref<16x250x80xi32, #tpu.memory_space<hbm>>, %arg5: memref<625x64xf32, #tpu.memory_space<hbm>>, %arg6: memref<2x10000x64xf32, #tpu.memory_space<hbm>>, %arg7: memref<250x80xi32, #tpu.memory_space<vmem>>, %arg8: memref<250x80xi32, #tpu.memory_space<vmem>>, %arg9: memref<5x80x64xf32, #tpu.memory_space<vmem>>, %arg10: memref<10000x64xf32, #tpu.memory_space<vmem_shared>>, %arg11: memref<!tpu.dma_semaphore, #tpu.memory_space<semaphore_mem>>, %arg12: memref<!tpu.dma_semaphore, #tpu.memory_space<semaphore_mem>>, %arg13: memref<!tpu.dma_semaphore, #tpu.memory_space<semaphore_mem>>, %arg14: memref<!tpu.dma_semaphore, #tpu.memory_space<semaphore_mem>>, %arg15: memref<!tpu.dma_semaphore, #tpu.memory_space<semaphore_mem>>, %arg16: memref<!tpu.dma_semaphore, #tpu.memory_space<semaphore_mem>>, %arg17: memref<!tpu.dma_semaphore, #tpu.memory_space<semaphore_mem>>, %arg18: memref<!tpu.dma_semaphore, #tpu.memory_space<semaphore_mem>>, %arg19: memref<!tpu.dma_semaphore, #tpu.memory_space<semaphore_mem>>, %arg20: memref<!tpu.dma_semaphore, #tpu.memory_space<semaphore_mem>>) attributes {dimension_semantics = [#tpu.dimension_semantics<core_parallel>, #tpu.dimension_semantics<subcore_parallel>], iteration_bounds = array<i64: 2, 16>, scalar_prefetch = 0 : i64, scratch_operands = 14 : i64, tpu.core_type = #tpu.core_type<sc_vector_subcore>, window_params = [{transform_indices = #map}, {transform_indices = #map}, {transform_indices = #map}, {transform_indices = #map1}, {transform_indices = #map}]} {
    "tpu.region"() ({
      %run_scoped3A = tpu.sem_alloc : memref<!tpu.dma_semaphore, #tpu.memory_space<semaphore_mem>>
      %dma_start3A_93 = arith.constant 0 : i32
      %dma_start3A_94 = arith.constant 0 : i32
      %dma_start3A_95 = tpu.memref_slice %arg3[%arg1, %dma_start3A_93, %dma_start3A_94] : memref<16x250x80xi32, #tpu.memory_space<hbm>> -> memref<1x250x80xi32, #tpu.memory_space<hbm>>
      %dma_start3A_96 = tpu.memref_squeeze %dma_start3A_95 : memref<1x250x80xi32, #tpu.memory_space<hbm>> -> memref<250x80xi32, #tpu.memory_space<hbm>>
      %dma_start3A_97 = arith.constant 0 : i32
      %dma_start3A_98 = arith.constant 0 : i32
      %dma_start3A_99 = tpu.memref_slice %arg3[%arg1, %dma_start3A_97, %dma_start3A_98] : memref<16x250x80xi32, #tpu.memory_space<hbm>> -> memref<1x250x80xi32, #tpu.memory_space<hbm>>
      %dma_start3A_100 = tpu.memref_squeeze %dma_start3A_99 : memref<1x250x80xi32, #tpu.memory_space<hbm>> -> memref<250x80xi32, #tpu.memory_space<hbm>>
      tpu.enqueue_dma source(%dma_start3A_100 : memref<250x80xi32, #tpu.memory_space<hbm>>) target(%arg7 : memref<250x80xi32, #tpu.memory_space<vmem>>) target_semaphore(%run_scoped3A : memref<!tpu.dma_semaphore, #tpu.memory_space<semaphore_mem>>)
      %dma_wait3A = arith.constant 0 : i32
      %dma_wait3A_101 = arith.constant 0 : i32
      %dma_wait3A_102 = tpu.memref_slice %arg3[%arg1, %dma_wait3A, %dma_wait3A_101] : memref<16x250x80xi32, #tpu.memory_space<hbm>> -> memref<1x250x80xi32, #tpu.memory_space<hbm>>
      %dma_wait3A_103 = tpu.memref_squeeze %dma_wait3A_102 : memref<1x250x80xi32, #tpu.memory_space<hbm>> -> memref<250x80xi32, #tpu.memory_space<hbm>>
      %dma_wait3A_104 = arith.constant 0 : i32
      %dma_wait3A_105 = arith.constant 0 : i32
      %dma_wait3A_106 = tpu.memref_slice %arg3[%arg1, %dma_wait3A_104, %dma_wait3A_105] : memref<16x250x80xi32, #tpu.memory_space<hbm>> -> memref<1x250x80xi32, #tpu.memory_space<hbm>>
      %dma_wait3A_107 = tpu.memref_squeeze %dma_wait3A_106 : memref<1x250x80xi32, #tpu.memory_space<hbm>> -> memref<250x80xi32, #tpu.memory_space<hbm>>
      tpu.wait_dma2 semaphore(%run_scoped3A : memref<!tpu.dma_semaphore, #tpu.memory_space<semaphore_mem>>) src(%dma_wait3A_107 : memref<250x80xi32, #tpu.memory_space<hbm>>) dst(%arg7 : memref<250x80xi32, #tpu.memory_space<vmem>>)
      tpu.yield
    }) : () -> ()
    "tpu.region"() ({
      %run_scoped3A = tpu.sem_alloc : memref<!tpu.dma_semaphore, #tpu.memory_space<semaphore_mem>>
      %dma_start3A_93 = arith.constant 0 : i32
      %dma_start3A_94 = arith.constant 0 : i32
      %dma_start3A_95 = tpu.memref_slice %arg4[%arg1, %dma_start3A_93, %dma_start3A_94] : memref<16x250x80xi32, #tpu.memory_space<hbm>> -> memref<1x250x80xi32, #tpu.memory_space<hbm>>
      %dma_start3A_96 = tpu.memref_squeeze %dma_start3A_95 : memref<1x250x80xi32, #tpu.memory_space<hbm>> -> memref<250x80xi32, #tpu.memory_space<hbm>>
      %dma_start3A_97 = arith.constant 0 : i32
      %dma_start3A_98 = arith.constant 0 : i32
      %dma_start3A_99 = tpu.memref_slice %arg4[%arg1, %dma_start3A_97, %dma_start3A_98] : memref<16x250x80xi32, #tpu.memory_space<hbm>> -> memref<1x250x80xi32, #tpu.memory_space<hbm>>
      %dma_start3A_100 = tpu.memref_squeeze %dma_start3A_99 : memref<1x250x80xi32, #tpu.memory_space<hbm>> -> memref<250x80xi32, #tpu.memory_space<hbm>>
      tpu.enqueue_dma source(%dma_start3A_100 : memref<250x80xi32, #tpu.memory_space<hbm>>) target(%arg8 : memref<250x80xi32, #tpu.memory_space<vmem>>) target_semaphore(%run_scoped3A : memref<!tpu.dma_semaphore, #tpu.memory_space<semaphore_mem>>)
      %dma_wait3A = arith.constant 0 : i32
      %dma_wait3A_101 = arith.constant 0 : i32
      %dma_wait3A_102 = tpu.memref_slice %arg4[%arg1, %dma_wait3A, %dma_wait3A_101] : memref<16x250x80xi32, #tpu.memory_space<hbm>> -> memref<1x250x80xi32, #tpu.memory_space<hbm>>
      %dma_wait3A_103 = tpu.memref_squeeze %dma_wait3A_102 : memref<1x250x80xi32, #tpu.memory_space<hbm>> -> memref<250x80xi32, #tpu.memory_space<hbm>>
      %dma_wait3A_104 = arith.constant 0 : i32
      %dma_wait3A_105 = arith.constant 0 : i32
      %dma_wait3A_106 = tpu.memref_slice %arg4[%arg1, %dma_wait3A_104, %dma_wait3A_105] : memref<16x250x80xi32, #tpu.memory_space<hbm>> -> memref<1x250x80xi32, #tpu.memory_space<hbm>>
      %dma_wait3A_107 = tpu.memref_squeeze %dma_wait3A_106 : memref<1x250x80xi32, #tpu.memory_space<hbm>> -> memref<250x80xi32, #tpu.memory_space<hbm>>
      tpu.wait_dma2 semaphore(%run_scoped3A : memref<!tpu.dma_semaphore, #tpu.memory_space<semaphore_mem>>) src(%dma_wait3A_107 : memref<250x80xi32, #tpu.memory_space<hbm>>) dst(%arg8 : memref<250x80xi32, #tpu.memory_space<vmem>>)
      tpu.yield
    }) : () -> ()
    %mul3A = arith.constant 625 : i32
    %mul3A_0 = arith.muli %arg1, %mul3A : i32
    "tpu.region"() ({
      %run_scoped3A = tpu.sem_alloc : memref<!tpu.dma_semaphore, #tpu.memory_space<semaphore_mem>>
      %dma_start3A_93 = arith.constant 0 : i32
      %dma_start3A_94 = tpu.memref_slice %arg10[%mul3A_0, %dma_start3A_93] : memref<10000x64xf32, #tpu.memory_space<vmem_shared>> -> memref<625x64xf32, #tpu.memory_space<vmem_shared>>
      tpu.enqueue_dma source(%arg5 : memref<625x64xf32, #tpu.memory_space<hbm>>) target(%dma_start3A_94 : memref<625x64xf32, #tpu.memory_space<vmem_shared>>) target_semaphore(%run_scoped3A : memref<!tpu.dma_semaphore, #tpu.memory_space<semaphore_mem>>)
      %dma_wait3A = arith.constant 0 : i32
      %dma_wait3A_95 = tpu.memref_slice %arg10[%mul3A_0, %dma_wait3A] : memref<10000x64xf32, #tpu.memory_space<vmem_shared>> -> memref<625x64xf32, #tpu.memory_space<vmem_shared>>
      tpu.wait_dma2 semaphore(%run_scoped3A : memref<!tpu.dma_semaphore, #tpu.memory_space<semaphore_mem>>) src(%arg5 : memref<625x64xf32, #tpu.memory_space<hbm>>) dst(%dma_wait3A_95 : memref<625x64xf32, #tpu.memory_space<vmem_shared>>)
      tpu.yield
    }) : () -> ()
    %barrier3A = arith.constant 0 : index
    tpu.barrier barrier_id(%barrier3A)
    %dma_start3A = arith.constant 0 : i32
    %dma_start3A_1 = arith.constant 0 : i32
    %dma_start3A_2 = arith.constant 0 : i32
    %dma_start3A_3 = arith.constant 0 : i32
    %dma_start3A_4 = tpu.memref_slice %arg9[%dma_start3A_1, %dma_start3A_2, %dma_start3A_3] : memref<5x80x64xf32, #tpu.memory_space<vmem>> -> memref<1x80x64xf32, #tpu.memory_space<vmem>>
    %dma_start3A_5 = tpu.memref_squeeze %dma_start3A_4 : memref<1x80x64xf32, #tpu.memory_space<vmem>> -> memref<80x64xf32, #tpu.memory_space<vmem>>
    %dma_start3A_6 = arith.constant 0 : i32
    %dma_start3A_7 = tpu.memref_slice %arg7[%dma_start3A, %dma_start3A_6] : memref<250x80xi32, #tpu.memory_space<vmem>> -> memref<1x80xi32, #tpu.memory_space<vmem>>
    %dma_start3A_8 = tpu.memref_squeeze %dma_start3A_7 : memref<1x80xi32, #tpu.memory_space<vmem>> -> memref<80xi32, #tpu.memory_space<vmem>>
    %dma_start3A_9 = arith.constant 0 : i32
    %dma_start3A_10 = arith.constant 0 : i32
    %dma_start3A_11 = tpu.memref_slice %arg2[%arg0, %dma_start3A_9, %dma_start3A_10] : memref<2x10000x64xf32, #tpu.memory_space<hbm>> -> memref<1x10000x64xf32, #tpu.memory_space<hbm>>
    %dma_start3A_12 = tpu.memref_squeeze %dma_start3A_11 : memref<1x10000x64xf32, #tpu.memory_space<hbm>> -> memref<10000x64xf32, #tpu.memory_space<hbm>>
    %dma_start3A_13 = arith.constant 0 : i32
    %dma_start3A_14 = arith.constant 0 : i32
    %dma_start3A_15 = tpu.memref_slice %dma_start3A_12[%dma_start3A_13, %dma_start3A_14] : memref<10000x64xf32, #tpu.memory_space<hbm>> -> memref<10000x64xf32, #tpu.memory_space<hbm>>
    tpu.enqueue_indirect_dma source(%dma_start3A_15 : memref<10000x64xf32, #tpu.memory_space<hbm>>) target(%dma_start3A_5 : memref<80x64xf32, #tpu.memory_space<vmem>>) offsets(%dma_start3A_8 : memref<80xi32, #tpu.memory_space<vmem>>) semaphore(%arg11 : memref<!tpu.dma_semaphore, #tpu.memory_space<semaphore_mem>>)
    %dma_start3A_16 = arith.constant 1 : i32
    %dma_start3A_17 = arith.constant 1 : i32
    %dma_start3A_18 = arith.constant 0 : i32
    %dma_start3A_19 = arith.constant 0 : i32
    %dma_start3A_20 = tpu.memref_slice %arg9[%dma_start3A_17, %dma_start3A_18, %dma_start3A_19] : memref<5x80x64xf32, #tpu.memory_space<vmem>> -> memref<1x80x64xf32, #tpu.memory_space<vmem>>
    %dma_start3A_21 = tpu.memref_squeeze %dma_start3A_20 : memref<1x80x64xf32, #tpu.memory_space<vmem>> -> memref<80x64xf32, #tpu.memory_space<vmem>>
    %dma_start3A_22 = arith.constant 0 : i32
    %dma_start3A_23 = tpu.memref_slice %arg7[%dma_start3A_16, %dma_start3A_22] : memref<250x80xi32, #tpu.memory_space<vmem>> -> memref<1x80xi32, #tpu.memory_space<vmem>>
    %dma_start3A_24 = tpu.memref_squeeze %dma_start3A_23 : memref<1x80xi32, #tpu.memory_space<vmem>> -> memref<80xi32, #tpu.memory_space<vmem>>
    %dma_start3A_25 = arith.constant 0 : i32
    %dma_start3A_26 = arith.constant 0 : i32
    %dma_start3A_27 = tpu.memref_slice %arg2[%arg0, %dma_start3A_25, %dma_start3A_26] : memref<2x10000x64xf32, #tpu.memory_space<hbm>> -> memref<1x10000x64xf32, #tpu.memory_space<hbm>>
    %dma_start3A_28 = tpu.memref_squeeze %dma_start3A_27 : memref<1x10000x64xf32, #tpu.memory_space<hbm>> -> memref<10000x64xf32, #tpu.memory_space<hbm>>
    %dma_start3A_29 = arith.constant 0 : i32
    %dma_start3A_30 = arith.constant 0 : i32
    %dma_start3A_31 = tpu.memref_slice %dma_start3A_28[%dma_start3A_29, %dma_start3A_30] : memref<10000x64xf32, #tpu.memory_space<hbm>> -> memref<10000x64xf32, #tpu.memory_space<hbm>>
    tpu.enqueue_indirect_dma source(%dma_start3A_31 : memref<10000x64xf32, #tpu.memory_space<hbm>>) target(%dma_start3A_21 : memref<80x64xf32, #tpu.memory_space<vmem>>) offsets(%dma_start3A_24 : memref<80xi32, #tpu.memory_space<vmem>>) semaphore(%arg12 : memref<!tpu.dma_semaphore, #tpu.memory_space<semaphore_mem>>)
    %dma_start3A_32 = arith.constant 2 : i32
    %dma_start3A_33 = arith.constant 2 : i32
    %dma_start3A_34 = arith.constant 0 : i32
    %dma_start3A_35 = arith.constant 0 : i32
    %dma_start3A_36 = tpu.memref_slice %arg9[%dma_start3A_33, %dma_start3A_34, %dma_start3A_35] : memref<5x80x64xf32, #tpu.memory_space<vmem>> -> memref<1x80x64xf32, #tpu.memory_space<vmem>>
    %dma_start3A_37 = tpu.memref_squeeze %dma_start3A_36 : memref<1x80x64xf32, #tpu.memory_space<vmem>> -> memref<80x64xf32, #tpu.memory_space<vmem>>
    %dma_start3A_38 = arith.constant 0 : i32
    %dma_start3A_39 = tpu.memref_slice %arg7[%dma_start3A_32, %dma_start3A_38] : memref<250x80xi32, #tpu.memory_space<vmem>> -> memref<1x80xi32, #tpu.memory_space<vmem>>
    %dma_start3A_40 = tpu.memref_squeeze %dma_start3A_39 : memref<1x80xi32, #tpu.memory_space<vmem>> -> memref<80xi32, #tpu.memory_space<vmem>>
    %dma_start3A_41 = arith.constant 0 : i32
    %dma_start3A_42 = arith.constant 0 : i32
    %dma_start3A_43 = tpu.memref_slice %arg2[%arg0, %dma_start3A_41, %dma_start3A_42] : memref<2x10000x64xf32, #tpu.memory_space<hbm>> -> memref<1x10000x64xf32, #tpu.memory_space<hbm>>
    %dma_start3A_44 = tpu.memref_squeeze %dma_start3A_43 : memref<1x10000x64xf32, #tpu.memory_space<hbm>> -> memref<10000x64xf32, #tpu.memory_space<hbm>>
    %dma_start3A_45 = arith.constant 0 : i32
    %dma_start3A_46 = arith.constant 0 : i32
    %dma_start3A_47 = tpu.memref_slice %dma_start3A_44[%dma_start3A_45, %dma_start3A_46] : memref<10000x64xf32, #tpu.memory_space<hbm>> -> memref<10000x64xf32, #tpu.memory_space<hbm>>
    tpu.enqueue_indirect_dma source(%dma_start3A_47 : memref<10000x64xf32, #tpu.memory_space<hbm>>) target(%dma_start3A_37 : memref<80x64xf32, #tpu.memory_space<vmem>>) offsets(%dma_start3A_40 : memref<80xi32, #tpu.memory_space<vmem>>) semaphore(%arg13 : memref<!tpu.dma_semaphore, #tpu.memory_space<semaphore_mem>>)
    %dma_start3A_48 = arith.constant 3 : i32
    %dma_start3A_49 = arith.constant 3 : i32
    %dma_start3A_50 = arith.constant 0 : i32
    %dma_start3A_51 = arith.constant 0 : i32
    %dma_start3A_52 = tpu.memref_slice %arg9[%dma_start3A_49, %dma_start3A_50, %dma_start3A_51] : memref<5x80x64xf32, #tpu.memory_space<vmem>> -> memref<1x80x64xf32, #tpu.memory_space<vmem>>
    %dma_start3A_53 = tpu.memref_squeeze %dma_start3A_52 : memref<1x80x64xf32, #tpu.memory_space<vmem>> -> memref<80x64xf32, #tpu.memory_space<vmem>>
    %dma_start3A_54 = arith.constant 0 : i32
    %dma_start3A_55 = tpu.memref_slice %arg7[%dma_start3A_48, %dma_start3A_54] : memref<250x80xi32, #tpu.memory_space<vmem>> -> memref<1x80xi32, #tpu.memory_space<vmem>>
    %dma_start3A_56 = tpu.memref_squeeze %dma_start3A_55 : memref<1x80xi32, #tpu.memory_space<vmem>> -> memref<80xi32, #tpu.memory_space<vmem>>
    %dma_start3A_57 = arith.constant 0 : i32
    %dma_start3A_58 = arith.constant 0 : i32
    %dma_start3A_59 = tpu.memref_slice %arg2[%arg0, %dma_start3A_57, %dma_start3A_58] : memref<2x10000x64xf32, #tpu.memory_space<hbm>> -> memref<1x10000x64xf32, #tpu.memory_space<hbm>>
    %dma_start3A_60 = tpu.memref_squeeze %dma_start3A_59 : memref<1x10000x64xf32, #tpu.memory_space<hbm>> -> memref<10000x64xf32, #tpu.memory_space<hbm>>
    %dma_start3A_61 = arith.constant 0 : i32
    %dma_start3A_62 = arith.constant 0 : i32
    %dma_start3A_63 = tpu.memref_slice %dma_start3A_60[%dma_start3A_61, %dma_start3A_62] : memref<10000x64xf32, #tpu.memory_space<hbm>> -> memref<10000x64xf32, #tpu.memory_space<hbm>>
    tpu.enqueue_indirect_dma source(%dma_start3A_63 : memref<10000x64xf32, #tpu.memory_space<hbm>>) target(%dma_start3A_53 : memref<80x64xf32, #tpu.memory_space<vmem>>) offsets(%dma_start3A_56 : memref<80xi32, #tpu.memory_space<vmem>>) semaphore(%arg14 : memref<!tpu.dma_semaphore, #tpu.memory_space<semaphore_mem>>)
    %dma_start3A_64 = arith.constant 4 : i32
    %dma_start3A_65 = arith.constant 4 : i32
    %dma_start3A_66 = arith.constant 0 : i32
    %dma_start3A_67 = arith.constant 0 : i32
    %dma_start3A_68 = tpu.memref_slice %arg9[%dma_start3A_65, %dma_start3A_66, %dma_start3A_67] : memref<5x80x64xf32, #tpu.memory_space<vmem>> -> memref<1x80x64xf32, #tpu.memory_space<vmem>>
    %dma_start3A_69 = tpu.memref_squeeze %dma_start3A_68 : memref<1x80x64xf32, #tpu.memory_space<vmem>> -> memref<80x64xf32, #tpu.memory_space<vmem>>
    %dma_start3A_70 = arith.constant 0 : i32
    %dma_start3A_71 = tpu.memref_slice %arg7[%dma_start3A_64, %dma_start3A_70] : memref<250x80xi32, #tpu.memory_space<vmem>> -> memref<1x80xi32, #tpu.memory_space<vmem>>
    %dma_start3A_72 = tpu.memref_squeeze %dma_start3A_71 : memref<1x80xi32, #tpu.memory_space<vmem>> -> memref<80xi32, #tpu.memory_space<vmem>>
    %dma_start3A_73 = arith.constant 0 : i32
    %dma_start3A_74 = arith.constant 0 : i32
    %dma_start3A_75 = tpu.memref_slice %arg2[%arg0, %dma_start3A_73, %dma_start3A_74] : memref<2x10000x64xf32, #tpu.memory_space<hbm>> -> memref<1x10000x64xf32, #tpu.memory_space<hbm>>
    %dma_start3A_76 = tpu.memref_squeeze %dma_start3A_75 : memref<1x10000x64xf32, #tpu.memory_space<hbm>> -> memref<10000x64xf32, #tpu.memory_space<hbm>>
    %dma_start3A_77 = arith.constant 0 : i32
    %dma_start3A_78 = arith.constant 0 : i32
    %dma_start3A_79 = tpu.memref_slice %dma_start3A_76[%dma_start3A_77, %dma_start3A_78] : memref<10000x64xf32, #tpu.memory_space<hbm>> -> memref<10000x64xf32, #tpu.memory_space<hbm>>
    tpu.enqueue_indirect_dma source(%dma_start3A_79 : memref<10000x64xf32, #tpu.memory_space<hbm>>) target(%dma_start3A_69 : memref<80x64xf32, #tpu.memory_space<vmem>>) offsets(%dma_start3A_72 : memref<80xi32, #tpu.memory_space<vmem>>) semaphore(%arg15 : memref<!tpu.dma_semaphore, #tpu.memory_space<semaphore_mem>>)
    %scan3A = arith.constant 0 : i32
    %scan3A_80 = arith.constant 0 : i32
    %scan3A_81 = arith.constant 50 : i32
    %scan3A_82 = arith.addi %scan3A_80, %scan3A_81 : i32
    %scan3A_83 = arith.constant 1 : i32
    %scan3A_84 = scf.for %scan3A_93 = %scan3A_80 to %scan3A_82 step %scan3A_83 iter_args(%scan3A_94 = %scan3A) -> (i32)  : i32 {
      %mul3A_95 = arith.constant 5 : i32
      %mul3A_96 = arith.muli %mul3A_95, %scan3A_93 : i32
      %add3A = arith.constant 0 : i32
      %add3A_97 = arith.addi %mul3A_96, %add3A : i32
      %dma_wait3A = arith.constant 0 : i32
      %dma_wait3A_98 = arith.constant 0 : i32
      %dma_wait3A_99 = arith.constant 0 : i32
      %dma_wait3A_100 = tpu.memref_slice %arg9[%dma_wait3A, %dma_wait3A_98, %dma_wait3A_99] : memref<5x80x64xf32, #tpu.memory_space<vmem>> -> memref<1x80x64xf32, #tpu.memory_space<vmem>>
      %dma_wait3A_101 = tpu.memref_squeeze %dma_wait3A_100 : memref<1x80x64xf32, #tpu.memory_space<vmem>> -> memref<80x64xf32, #tpu.memory_space<vmem>>
      %dma_wait3A_102 = arith.constant 0 : i32
      %dma_wait3A_103 = tpu.memref_slice %arg7[%add3A_97, %dma_wait3A_102] : memref<250x80xi32, #tpu.memory_space<vmem>> -> memref<1x80xi32, #tpu.memory_space<vmem>>
      %dma_wait3A_104 = tpu.memref_squeeze %dma_wait3A_103 : memref<1x80xi32, #tpu.memory_space<vmem>> -> memref<80xi32, #tpu.memory_space<vmem>>
      %dma_wait3A_105 = arith.constant 0 : i32
      %dma_wait3A_106 = arith.constant 0 : i32
      %dma_wait3A_107 = tpu.memref_slice %arg2[%arg0, %dma_wait3A_105, %dma_wait3A_106] : memref<2x10000x64xf32, #tpu.memory_space<hbm>> -> memref<1x10000x64xf32, #tpu.memory_space<hbm>>
      %dma_wait3A_108 = tpu.memref_squeeze %dma_wait3A_107 : memref<1x10000x64xf32, #tpu.memory_space<hbm>> -> memref<10000x64xf32, #tpu.memory_space<hbm>>
      %dma_wait3A_109 = arith.constant 0 : i32
      %dma_wait3A_110 = arith.constant 0 : i32
      %dma_wait3A_111 = tpu.memref_slice %dma_wait3A_108[%dma_wait3A_109, %dma_wait3A_110] : memref<10000x64xf32, #tpu.memory_space<hbm>> -> memref<10000x64xf32, #tpu.memory_space<hbm>>
      tpu.wait_indirect_dma semaphore(%arg11 : memref<!tpu.dma_semaphore, #tpu.memory_space<semaphore_mem>>) src(%dma_wait3A_111 : memref<10000x64xf32, #tpu.memory_space<hbm>>) dst(%dma_wait3A_101 : memref<80x64xf32, #tpu.memory_space<vmem>>)
      %dma_start3A_112 = arith.constant 0 : i32
      %dma_start3A_113 = arith.constant 0 : i32
      %dma_start3A_114 = arith.constant 0 : i32
      %dma_start3A_115 = tpu.memref_slice %arg9[%dma_start3A_112, %dma_start3A_113, %dma_start3A_114] : memref<5x80x64xf32, #tpu.memory_space<vmem>> -> memref<1x80x64xf32, #tpu.memory_space<vmem>>
      %dma_start3A_116 = tpu.memref_squeeze %dma_start3A_115 : memref<1x80x64xf32, #tpu.memory_space<vmem>> -> memref<80x64xf32, #tpu.memory_space<vmem>>
      %dma_start3A_117 = arith.constant 0 : i32
      %dma_start3A_118 = tpu.memref_slice %arg8[%add3A_97, %dma_start3A_117] : memref<250x80xi32, #tpu.memory_space<vmem>> -> memref<1x80xi32, #tpu.memory_space<vmem>>
      %dma_start3A_119 = tpu.memref_squeeze %dma_start3A_118 : memref<1x80xi32, #tpu.memory_space<vmem>> -> memref<80xi32, #tpu.memory_space<vmem>>
      %dma_start3A_120 = arith.constant 0 : i32
      %dma_start3A_121 = arith.constant 0 : i32
      %dma_start3A_122 = tpu.memref_slice %arg10[%dma_start3A_120, %dma_start3A_121] : memref<10000x64xf32, #tpu.memory_space<vmem_shared>> -> memref<10000x64xf32, #tpu.memory_space<vmem_shared>>
      tpu.enqueue_indirect_dma source(%dma_start3A_116 : memref<80x64xf32, #tpu.memory_space<vmem>>) target(%dma_start3A_122 : memref<10000x64xf32, #tpu.memory_space<vmem_shared>>) offsets(%dma_start3A_119 : memref<80xi32, #tpu.memory_space<vmem>>) semaphore(%arg16 : memref<!tpu.dma_semaphore, #tpu.memory_space<semaphore_mem>>) {add = true}
      %dma_wait3A_123 = arith.constant 0 : i32
      %dma_wait3A_124 = arith.constant 0 : i32
      %dma_wait3A_125 = arith.constant 0 : i32
      %dma_wait3A_126 = tpu.memref_slice %arg9[%dma_wait3A_123, %dma_wait3A_124, %dma_wait3A_125] : memref<5x80x64xf32, #tpu.memory_space<vmem>> -> memref<1x80x64xf32, #tpu.memory_space<vmem>>
      %dma_wait3A_127 = tpu.memref_squeeze %dma_wait3A_126 : memref<1x80x64xf32, #tpu.memory_space<vmem>> -> memref<80x64xf32, #tpu.memory_space<vmem>>
      %dma_wait3A_128 = arith.constant 0 : i32
      %dma_wait3A_129 = tpu.memref_slice %arg8[%add3A_97, %dma_wait3A_128] : memref<250x80xi32, #tpu.memory_space<vmem>> -> memref<1x80xi32, #tpu.memory_space<vmem>>
      %dma_wait3A_130 = tpu.memref_squeeze %dma_wait3A_129 : memref<1x80xi32, #tpu.memory_space<vmem>> -> memref<80xi32, #tpu.memory_space<vmem>>
      %dma_wait3A_131 = arith.constant 0 : i32
      %dma_wait3A_132 = arith.constant 0 : i32
      %dma_wait3A_133 = tpu.memref_slice %arg10[%dma_wait3A_131, %dma_wait3A_132] : memref<10000x64xf32, #tpu.memory_space<vmem_shared>> -> memref<10000x64xf32, #tpu.memory_space<vmem_shared>>
      tpu.wait_indirect_dma semaphore(%arg16 : memref<!tpu.dma_semaphore, #tpu.memory_space<semaphore_mem>>) src(%dma_wait3A_127 : memref<80x64xf32, #tpu.memory_space<vmem>>) dst(%dma_wait3A_133 : memref<10000x64xf32, #tpu.memory_space<vmem_shared>>)
      %add3A_134 = arith.constant 5 : i32
      %add3A_135 = arith.addi %add3A_97, %add3A_134 : i32
      %lt3A = arith.constant 250 : i32
      %lt3A_136 = arith.cmpi slt, %add3A_135, %lt3A : i32
      %convert_element_type3A_137 = arith.extui %lt3A_136 : i1 to i32
      %cond3A_138 = arith.constant 0 : i32
      %cond3A_139 = arith.cmpi ne, %convert_element_type3A_137, %cond3A_138 : i32
      scf.if %cond3A_139 {
        %add3A_333 = arith.constant 5 : i32
        %add3A_334 = arith.addi %add3A_97, %add3A_333 : i32
        %dma_start3A_335 = arith.constant 0 : i32
        %dma_start3A_336 = arith.constant 0 : i32
        %dma_start3A_337 = arith.constant 0 : i32
        %dma_start3A_338 = tpu.memref_slice %arg9[%dma_start3A_335, %dma_start3A_336, %dma_start3A_337] : memref<5x80x64xf32, #tpu.memory_space<vmem>> -> memref<1x80x64xf32, #tpu.memory_space<vmem>>
        %dma_start3A_339 = tpu.memref_squeeze %dma_start3A_338 : memref<1x80x64xf32, #tpu.memory_space<vmem>> -> memref<80x64xf32, #tpu.memory_space<vmem>>
        %dma_start3A_340 = arith.constant 0 : i32
        %dma_start3A_341 = tpu.memref_slice %arg7[%add3A_334, %dma_start3A_340] : memref<250x80xi32, #tpu.memory_space<vmem>> -> memref<1x80xi32, #tpu.memory_space<vmem>>
        %dma_start3A_342 = tpu.memref_squeeze %dma_start3A_341 : memref<1x80xi32, #tpu.memory_space<vmem>> -> memref<80xi32, #tpu.memory_space<vmem>>
        %dma_start3A_343 = arith.constant 0 : i32
        %dma_start3A_344 = arith.constant 0 : i32
        %dma_start3A_345 = tpu.memref_slice %arg2[%arg0, %dma_start3A_343, %dma_start3A_344] : memref<2x10000x64xf32, #tpu.memory_space<hbm>> -> memref<1x10000x64xf32, #tpu.memory_space<hbm>>
        %dma_start3A_346 = tpu.memref_squeeze %dma_start3A_345 : memref<1x10000x64xf32, #tpu.memory_space<hbm>> -> memref<10000x64xf32, #tpu.memory_space<hbm>>
        %dma_start3A_347 = arith.constant 0 : i32
        %dma_start3A_348 = arith.constant 0 : i32
        %dma_start3A_349 = tpu.memref_slice %dma_start3A_346[%dma_start3A_347, %dma_start3A_348] : memref<10000x64xf32, #tpu.memory_space<hbm>> -> memref<10000x64xf32, #tpu.memory_space<hbm>>
        tpu.enqueue_indirect_dma source(%dma_start3A_349 : memref<10000x64xf32, #tpu.memory_space<hbm>>) target(%dma_start3A_339 : memref<80x64xf32, #tpu.memory_space<vmem>>) offsets(%dma_start3A_342 : memref<80xi32, #tpu.memory_space<vmem>>) semaphore(%arg11 : memref<!tpu.dma_semaphore, #tpu.memory_space<semaphore_mem>>)
      } else {
      }
      %mul3A_140 = arith.constant 5 : i32
      %mul3A_141 = arith.muli %mul3A_140, %scan3A_93 : i32
      %add3A_142 = arith.constant 1 : i32
      %add3A_143 = arith.addi %mul3A_141, %add3A_142 : i32
      %dma_wait3A_144 = arith.constant 1 : i32
      %dma_wait3A_145 = arith.constant 0 : i32
      %dma_wait3A_146 = arith.constant 0 : i32
      %dma_wait3A_147 = tpu.memref_slice %arg9[%dma_wait3A_144, %dma_wait3A_145, %dma_wait3A_146] : memref<5x80x64xf32, #tpu.memory_space<vmem>> -> memref<1x80x64xf32, #tpu.memory_space<vmem>>
      %dma_wait3A_148 = tpu.memref_squeeze %dma_wait3A_147 : memref<1x80x64xf32, #tpu.memory_space<vmem>> -> memref<80x64xf32, #tpu.memory_space<vmem>>
      %dma_wait3A_149 = arith.constant 0 : i32
      %dma_wait3A_150 = tpu.memref_slice %arg7[%add3A_143, %dma_wait3A_149] : memref<250x80xi32, #tpu.memory_space<vmem>> -> memref<1x80xi32, #tpu.memory_space<vmem>>
      %dma_wait3A_151 = tpu.memref_squeeze %dma_wait3A_150 : memref<1x80xi32, #tpu.memory_space<vmem>> -> memref<80xi32, #tpu.memory_space<vmem>>
      %dma_wait3A_152 = arith.constant 0 : i32
      %dma_wait3A_153 = arith.constant 0 : i32
      %dma_wait3A_154 = tpu.memref_slice %arg2[%arg0, %dma_wait3A_152, %dma_wait3A_153] : memref<2x10000x64xf32, #tpu.memory_space<hbm>> -> memref<1x10000x64xf32, #tpu.memory_space<hbm>>
      %dma_wait3A_155 = tpu.memref_squeeze %dma_wait3A_154 : memref<1x10000x64xf32, #tpu.memory_space<hbm>> -> memref<10000x64xf32, #tpu.memory_space<hbm>>
      %dma_wait3A_156 = arith.constant 0 : i32
      %dma_wait3A_157 = arith.constant 0 : i32
      %dma_wait3A_158 = tpu.memref_slice %dma_wait3A_155[%dma_wait3A_156, %dma_wait3A_157] : memref<10000x64xf32, #tpu.memory_space<hbm>> -> memref<10000x64xf32, #tpu.memory_space<hbm>>
      tpu.wait_indirect_dma semaphore(%arg12 : memref<!tpu.dma_semaphore, #tpu.memory_space<semaphore_mem>>) src(%dma_wait3A_158 : memref<10000x64xf32, #tpu.memory_space<hbm>>) dst(%dma_wait3A_148 : memref<80x64xf32, #tpu.memory_space<vmem>>)
      %dma_start3A_159 = arith.constant 1 : i32
      %dma_start3A_160 = arith.constant 0 : i32
      %dma_start3A_161 = arith.constant 0 : i32
      %dma_start3A_162 = tpu.memref_slice %arg9[%dma_start3A_159, %dma_start3A_160, %dma_start3A_161] : memref<5x80x64xf32, #tpu.memory_space<vmem>> -> memref<1x80x64xf32, #tpu.memory_space<vmem>>
      %dma_start3A_163 = tpu.memref_squeeze %dma_start3A_162 : memref<1x80x64xf32, #tpu.memory_space<vmem>> -> memref<80x64xf32, #tpu.memory_space<vmem>>
      %dma_start3A_164 = arith.constant 0 : i32
      %dma_start3A_165 = tpu.memref_slice %arg8[%add3A_143, %dma_start3A_164] : memref<250x80xi32, #tpu.memory_space<vmem>> -> memref<1x80xi32, #tpu.memory_space<vmem>>
      %dma_start3A_166 = tpu.memref_squeeze %dma_start3A_165 : memref<1x80xi32, #tpu.memory_space<vmem>> -> memref<80xi32, #tpu.memory_space<vmem>>
      %dma_start3A_167 = arith.constant 0 : i32
      %dma_start3A_168 = arith.constant 0 : i32
      %dma_start3A_169 = tpu.memref_slice %arg10[%dma_start3A_167, %dma_start3A_168] : memref<10000x64xf32, #tpu.memory_space<vmem_shared>> -> memref<10000x64xf32, #tpu.memory_space<vmem_shared>>
      tpu.enqueue_indirect_dma source(%dma_start3A_163 : memref<80x64xf32, #tpu.memory_space<vmem>>) target(%dma_start3A_169 : memref<10000x64xf32, #tpu.memory_space<vmem_shared>>) offsets(%dma_start3A_166 : memref<80xi32, #tpu.memory_space<vmem>>) semaphore(%arg17 : memref<!tpu.dma_semaphore, #tpu.memory_space<semaphore_mem>>) {add = true}
      %dma_wait3A_170 = arith.constant 1 : i32
      %dma_wait3A_171 = arith.constant 0 : i32
      %dma_wait3A_172 = arith.constant 0 : i32
      %dma_wait3A_173 = tpu.memref_slice %arg9[%dma_wait3A_170, %dma_wait3A_171, %dma_wait3A_172] : memref<5x80x64xf32, #tpu.memory_space<vmem>> -> memref<1x80x64xf32, #tpu.memory_space<vmem>>
      %dma_wait3A_174 = tpu.memref_squeeze %dma_wait3A_173 : memref<1x80x64xf32, #tpu.memory_space<vmem>> -> memref<80x64xf32, #tpu.memory_space<vmem>>
      %dma_wait3A_175 = arith.constant 0 : i32
      %dma_wait3A_176 = tpu.memref_slice %arg8[%add3A_143, %dma_wait3A_175] : memref<250x80xi32, #tpu.memory_space<vmem>> -> memref<1x80xi32, #tpu.memory_space<vmem>>
      %dma_wait3A_177 = tpu.memref_squeeze %dma_wait3A_176 : memref<1x80xi32, #tpu.memory_space<vmem>> -> memref<80xi32, #tpu.memory_space<vmem>>
      %dma_wait3A_178 = arith.constant 0 : i32
      %dma_wait3A_179 = arith.constant 0 : i32
      %dma_wait3A_180 = tpu.memref_slice %arg10[%dma_wait3A_178, %dma_wait3A_179] : memref<10000x64xf32, #tpu.memory_space<vmem_shared>> -> memref<10000x64xf32, #tpu.memory_space<vmem_shared>>
      tpu.wait_indirect_dma semaphore(%arg17 : memref<!tpu.dma_semaphore, #tpu.memory_space<semaphore_mem>>) src(%dma_wait3A_174 : memref<80x64xf32, #tpu.memory_space<vmem>>) dst(%dma_wait3A_180 : memref<10000x64xf32, #tpu.memory_space<vmem_shared>>)
      %add3A_181 = arith.constant 5 : i32
      %add3A_182 = arith.addi %add3A_143, %add3A_181 : i32
      %lt3A_183 = arith.constant 250 : i32
      %lt3A_184 = arith.cmpi slt, %add3A_182, %lt3A_183 : i32
      %convert_element_type3A_185 = arith.extui %lt3A_184 : i1 to i32
      %cond3A_186 = arith.constant 0 : i32
      %cond3A_187 = arith.cmpi ne, %convert_element_type3A_185, %cond3A_186 : i32
      scf.if %cond3A_187 {
        %add3A_333 = arith.constant 5 : i32
        %add3A_334 = arith.addi %add3A_143, %add3A_333 : i32
        %dma_start3A_335 = arith.constant 1 : i32
        %dma_start3A_336 = arith.constant 0 : i32
        %dma_start3A_337 = arith.constant 0 : i32
        %dma_start3A_338 = tpu.memref_slice %arg9[%dma_start3A_335, %dma_start3A_336, %dma_start3A_337] : memref<5x80x64xf32, #tpu.memory_space<vmem>> -> memref<1x80x64xf32, #tpu.memory_space<vmem>>
        %dma_start3A_339 = tpu.memref_squeeze %dma_start3A_338 : memref<1x80x64xf32, #tpu.memory_space<vmem>> -> memref<80x64xf32, #tpu.memory_space<vmem>>
        %dma_start3A_340 = arith.constant 0 : i32
        %dma_start3A_341 = tpu.memref_slice %arg7[%add3A_334, %dma_start3A_340] : memref<250x80xi32, #tpu.memory_space<vmem>> -> memref<1x80xi32, #tpu.memory_space<vmem>>
        %dma_start3A_342 = tpu.memref_squeeze %dma_start3A_341 : memref<1x80xi32, #tpu.memory_space<vmem>> -> memref<80xi32, #tpu.memory_space<vmem>>
        %dma_start3A_343 = arith.constant 0 : i32
        %dma_start3A_344 = arith.constant 0 : i32
        %dma_start3A_345 = tpu.memref_slice %arg2[%arg0, %dma_start3A_343, %dma_start3A_344] : memref<2x10000x64xf32, #tpu.memory_space<hbm>> -> memref<1x10000x64xf32, #tpu.memory_space<hbm>>
        %dma_start3A_346 = tpu.memref_squeeze %dma_start3A_345 : memref<1x10000x64xf32, #tpu.memory_space<hbm>> -> memref<10000x64xf32, #tpu.memory_space<hbm>>
        %dma_start3A_347 = arith.constant 0 : i32
        %dma_start3A_348 = arith.constant 0 : i32
        %dma_start3A_349 = tpu.memref_slice %dma_start3A_346[%dma_start3A_347, %dma_start3A_348] : memref<10000x64xf32, #tpu.memory_space<hbm>> -> memref<10000x64xf32, #tpu.memory_space<hbm>>
        tpu.enqueue_indirect_dma source(%dma_start3A_349 : memref<10000x64xf32, #tpu.memory_space<hbm>>) target(%dma_start3A_339 : memref<80x64xf32, #tpu.memory_space<vmem>>) offsets(%dma_start3A_342 : memref<80xi32, #tpu.memory_space<vmem>>) semaphore(%arg12 : memref<!tpu.dma_semaphore, #tpu.memory_space<semaphore_mem>>)
      } else {
      }
      %mul3A_188 = arith.constant 5 : i32
      %mul3A_189 = arith.muli %mul3A_188, %scan3A_93 : i32
      %add3A_190 = arith.constant 2 : i32
      %add3A_191 = arith.addi %mul3A_189, %add3A_190 : i32
      %dma_wait3A_192 = arith.constant 2 : i32
      %dma_wait3A_193 = arith.constant 0 : i32
      %dma_wait3A_194 = arith.constant 0 : i32
      %dma_wait3A_195 = tpu.memref_slice %arg9[%dma_wait3A_192, %dma_wait3A_193, %dma_wait3A_194] : memref<5x80x64xf32, #tpu.memory_space<vmem>> -> memref<1x80x64xf32, #tpu.memory_space<vmem>>
      %dma_wait3A_196 = tpu.memref_squeeze %dma_wait3A_195 : memref<1x80x64xf32, #tpu.memory_space<vmem>> -> memref<80x64xf32, #tpu.memory_space<vmem>>
      %dma_wait3A_197 = arith.constant 0 : i32
      %dma_wait3A_198 = tpu.memref_slice %arg7[%add3A_191, %dma_wait3A_197] : memref<250x80xi32, #tpu.memory_space<vmem>> -> memref<1x80xi32, #tpu.memory_space<vmem>>
      %dma_wait3A_199 = tpu.memref_squeeze %dma_wait3A_198 : memref<1x80xi32, #tpu.memory_space<vmem>> -> memref<80xi32, #tpu.memory_space<vmem>>
      %dma_wait3A_200 = arith.constant 0 : i32
      %dma_wait3A_201 = arith.constant 0 : i32
      %dma_wait3A_202 = tpu.memref_slice %arg2[%arg0, %dma_wait3A_200, %dma_wait3A_201] : memref<2x10000x64xf32, #tpu.memory_space<hbm>> -> memref<1x10000x64xf32, #tpu.memory_space<hbm>>
      %dma_wait3A_203 = tpu.memref_squeeze %dma_wait3A_202 : memref<1x10000x64xf32, #tpu.memory_space<hbm>> -> memref<10000x64xf32, #tpu.memory_space<hbm>>
      %dma_wait3A_204 = arith.constant 0 : i32
      %dma_wait3A_205 = arith.constant 0 : i32
      %dma_wait3A_206 = tpu.memref_slice %dma_wait3A_203[%dma_wait3A_204, %dma_wait3A_205] : memref<10000x64xf32, #tpu.memory_space<hbm>> -> memref<10000x64xf32, #tpu.memory_space<hbm>>
      tpu.wait_indirect_dma semaphore(%arg13 : memref<!tpu.dma_semaphore, #tpu.memory_space<semaphore_mem>>) src(%dma_wait3A_206 : memref<10000x64xf32, #tpu.memory_space<hbm>>) dst(%dma_wait3A_196 : memref<80x64xf32, #tpu.memory_space<vmem>>)
      %dma_start3A_207 = arith.constant 2 : i32
      %dma_start3A_208 = arith.constant 0 : i32
      %dma_start3A_209 = arith.constant 0 : i32
      %dma_start3A_210 = tpu.memref_slice %arg9[%dma_start3A_207, %dma_start3A_208, %dma_start3A_209] : memref<5x80x64xf32, #tpu.memory_space<vmem>> -> memref<1x80x64xf32, #tpu.memory_space<vmem>>
      %dma_start3A_211 = tpu.memref_squeeze %dma_start3A_210 : memref<1x80x64xf32, #tpu.memory_space<vmem>> -> memref<80x64xf32, #tpu.memory_space<vmem>>
      %dma_start3A_212 = arith.constant 0 : i32
      %dma_start3A_213 = tpu.memref_slice %arg8[%add3A_191, %dma_start3A_212] : memref<250x80xi32, #tpu.memory_space<vmem>> -> memref<1x80xi32, #tpu.memory_space<vmem>>
      %dma_start3A_214 = tpu.memref_squeeze %dma_start3A_213 : memref<1x80xi32, #tpu.memory_space<vmem>> -> memref<80xi32, #tpu.memory_space<vmem>>
      %dma_start3A_215 = arith.constant 0 : i32
      %dma_start3A_216 = arith.constant 0 : i32
      %dma_start3A_217 = tpu.memref_slice %arg10[%dma_start3A_215, %dma_start3A_216] : memref<10000x64xf32, #tpu.memory_space<vmem_shared>> -> memref<10000x64xf32, #tpu.memory_space<vmem_shared>>
      tpu.enqueue_indirect_dma source(%dma_start3A_211 : memref<80x64xf32, #tpu.memory_space<vmem>>) target(%dma_start3A_217 : memref<10000x64xf32, #tpu.memory_space<vmem_shared>>) offsets(%dma_start3A_214 : memref<80xi32, #tpu.memory_space<vmem>>) semaphore(%arg18 : memref<!tpu.dma_semaphore, #tpu.memory_space<semaphore_mem>>) {add = true}
      %dma_wait3A_218 = arith.constant 2 : i32
      %dma_wait3A_219 = arith.constant 0 : i32
      %dma_wait3A_220 = arith.constant 0 : i32
      %dma_wait3A_221 = tpu.memref_slice %arg9[%dma_wait3A_218, %dma_wait3A_219, %dma_wait3A_220] : memref<5x80x64xf32, #tpu.memory_space<vmem>> -> memref<1x80x64xf32, #tpu.memory_space<vmem>>
      %dma_wait3A_222 = tpu.memref_squeeze %dma_wait3A_221 : memref<1x80x64xf32, #tpu.memory_space<vmem>> -> memref<80x64xf32, #tpu.memory_space<vmem>>
      %dma_wait3A_223 = arith.constant 0 : i32
      %dma_wait3A_224 = tpu.memref_slice %arg8[%add3A_191, %dma_wait3A_223] : memref<250x80xi32, #tpu.memory_space<vmem>> -> memref<1x80xi32, #tpu.memory_space<vmem>>
      %dma_wait3A_225 = tpu.memref_squeeze %dma_wait3A_224 : memref<1x80xi32, #tpu.memory_space<vmem>> -> memref<80xi32, #tpu.memory_space<vmem>>
      %dma_wait3A_226 = arith.constant 0 : i32
      %dma_wait3A_227 = arith.constant 0 : i32
      %dma_wait3A_228 = tpu.memref_slice %arg10[%dma_wait3A_226, %dma_wait3A_227] : memref<10000x64xf32, #tpu.memory_space<vmem_shared>> -> memref<10000x64xf32, #tpu.memory_space<vmem_shared>>
      tpu.wait_indirect_dma semaphore(%arg18 : memref<!tpu.dma_semaphore, #tpu.memory_space<semaphore_mem>>) src(%dma_wait3A_222 : memref<80x64xf32, #tpu.memory_space<vmem>>) dst(%dma_wait3A_228 : memref<10000x64xf32, #tpu.memory_space<vmem_shared>>)
      %add3A_229 = arith.constant 5 : i32
      %add3A_230 = arith.addi %add3A_191, %add3A_229 : i32
      %lt3A_231 = arith.constant 250 : i32
      %lt3A_232 = arith.cmpi slt, %add3A_230, %lt3A_231 : i32
      %convert_element_type3A_233 = arith.extui %lt3A_232 : i1 to i32
      %cond3A_234 = arith.constant 0 : i32
      %cond3A_235 = arith.cmpi ne, %convert_element_type3A_233, %cond3A_234 : i32
      scf.if %cond3A_235 {
        %add3A_333 = arith.constant 5 : i32
        %add3A_334 = arith.addi %add3A_191, %add3A_333 : i32
        %dma_start3A_335 = arith.constant 2 : i32
        %dma_start3A_336 = arith.constant 0 : i32
        %dma_start3A_337 = arith.constant 0 : i32
        %dma_start3A_338 = tpu.memref_slice %arg9[%dma_start3A_335, %dma_start3A_336, %dma_start3A_337] : memref<5x80x64xf32, #tpu.memory_space<vmem>> -> memref<1x80x64xf32, #tpu.memory_space<vmem>>
        %dma_start3A_339 = tpu.memref_squeeze %dma_start3A_338 : memref<1x80x64xf32, #tpu.memory_space<vmem>> -> memref<80x64xf32, #tpu.memory_space<vmem>>
        %dma_start3A_340 = arith.constant 0 : i32
        %dma_start3A_341 = tpu.memref_slice %arg7[%add3A_334, %dma_start3A_340] : memref<250x80xi32, #tpu.memory_space<vmem>> -> memref<1x80xi32, #tpu.memory_space<vmem>>
        %dma_start3A_342 = tpu.memref_squeeze %dma_start3A_341 : memref<1x80xi32, #tpu.memory_space<vmem>> -> memref<80xi32, #tpu.memory_space<vmem>>
        %dma_start3A_343 = arith.constant 0 : i32
        %dma_start3A_344 = arith.constant 0 : i32
        %dma_start3A_345 = tpu.memref_slice %arg2[%arg0, %dma_start3A_343, %dma_start3A_344] : memref<2x10000x64xf32, #tpu.memory_space<hbm>> -> memref<1x10000x64xf32, #tpu.memory_space<hbm>>
        %dma_start3A_346 = tpu.memref_squeeze %dma_start3A_345 : memref<1x10000x64xf32, #tpu.memory_space<hbm>> -> memref<10000x64xf32, #tpu.memory_space<hbm>>
        %dma_start3A_347 = arith.constant 0 : i32
        %dma_start3A_348 = arith.constant 0 : i32
        %dma_start3A_349 = tpu.memref_slice %dma_start3A_346[%dma_start3A_347, %dma_start3A_348] : memref<10000x64xf32, #tpu.memory_space<hbm>> -> memref<10000x64xf32, #tpu.memory_space<hbm>>
        tpu.enqueue_indirect_dma source(%dma_start3A_349 : memref<10000x64xf32, #tpu.memory_space<hbm>>) target(%dma_start3A_339 : memref<80x64xf32, #tpu.memory_space<vmem>>) offsets(%dma_start3A_342 : memref<80xi32, #tpu.memory_space<vmem>>) semaphore(%arg13 : memref<!tpu.dma_semaphore, #tpu.memory_space<semaphore_mem>>)
      } else {
      }
      %mul3A_236 = arith.constant 5 : i32
      %mul3A_237 = arith.muli %mul3A_236, %scan3A_93 : i32
      %add3A_238 = arith.constant 3 : i32
      %add3A_239 = arith.addi %mul3A_237, %add3A_238 : i32
      %dma_wait3A_240 = arith.constant 3 : i32
      %dma_wait3A_241 = arith.constant 0 : i32
      %dma_wait3A_242 = arith.constant 0 : i32
      %dma_wait3A_243 = tpu.memref_slice %arg9[%dma_wait3A_240, %dma_wait3A_241, %dma_wait3A_242] : memref<5x80x64xf32, #tpu.memory_space<vmem>> -> memref<1x80x64xf32, #tpu.memory_space<vmem>>
      %dma_wait3A_244 = tpu.memref_squeeze %dma_wait3A_243 : memref<1x80x64xf32, #tpu.memory_space<vmem>> -> memref<80x64xf32, #tpu.memory_space<vmem>>
      %dma_wait3A_245 = arith.constant 0 : i32
      %dma_wait3A_246 = tpu.memref_slice %arg7[%add3A_239, %dma_wait3A_245] : memref<250x80xi32, #tpu.memory_space<vmem>> -> memref<1x80xi32, #tpu.memory_space<vmem>>
      %dma_wait3A_247 = tpu.memref_squeeze %dma_wait3A_246 : memref<1x80xi32, #tpu.memory_space<vmem>> -> memref<80xi32, #tpu.memory_space<vmem>>
      %dma_wait3A_248 = arith.constant 0 : i32
      %dma_wait3A_249 = arith.constant 0 : i32
      %dma_wait3A_250 = tpu.memref_slice %arg2[%arg0, %dma_wait3A_248, %dma_wait3A_249] : memref<2x10000x64xf32, #tpu.memory_space<hbm>> -> memref<1x10000x64xf32, #tpu.memory_space<hbm>>
      %dma_wait3A_251 = tpu.memref_squeeze %dma_wait3A_250 : memref<1x10000x64xf32, #tpu.memory_space<hbm>> -> memref<10000x64xf32, #tpu.memory_space<hbm>>
      %dma_wait3A_252 = arith.constant 0 : i32
      %dma_wait3A_253 = arith.constant 0 : i32
      %dma_wait3A_254 = tpu.memref_slice %dma_wait3A_251[%dma_wait3A_252, %dma_wait3A_253] : memref<10000x64xf32, #tpu.memory_space<hbm>> -> memref<10000x64xf32, #tpu.memory_space<hbm>>
      tpu.wait_indirect_dma semaphore(%arg14 : memref<!tpu.dma_semaphore, #tpu.memory_space<semaphore_mem>>) src(%dma_wait3A_254 : memref<10000x64xf32, #tpu.memory_space<hbm>>) dst(%dma_wait3A_244 : memref<80x64xf32, #tpu.memory_space<vmem>>)
      %dma_start3A_255 = arith.constant 3 : i32
      %dma_start3A_256 = arith.constant 0 : i32
      %dma_start3A_257 = arith.constant 0 : i32
      %dma_start3A_258 = tpu.memref_slice %arg9[%dma_start3A_255, %dma_start3A_256, %dma_start3A_257] : memref<5x80x64xf32, #tpu.memory_space<vmem>> -> memref<1x80x64xf32, #tpu.memory_space<vmem>>
      %dma_start3A_259 = tpu.memref_squeeze %dma_start3A_258 : memref<1x80x64xf32, #tpu.memory_space<vmem>> -> memref<80x64xf32, #tpu.memory_space<vmem>>
      %dma_start3A_260 = arith.constant 0 : i32
      %dma_start3A_261 = tpu.memref_slice %arg8[%add3A_239, %dma_start3A_260] : memref<250x80xi32, #tpu.memory_space<vmem>> -> memref<1x80xi32, #tpu.memory_space<vmem>>
      %dma_start3A_262 = tpu.memref_squeeze %dma_start3A_261 : memref<1x80xi32, #tpu.memory_space<vmem>> -> memref<80xi32, #tpu.memory_space<vmem>>
      %dma_start3A_263 = arith.constant 0 : i32
      %dma_start3A_264 = arith.constant 0 : i32
      %dma_start3A_265 = tpu.memref_slice %arg10[%dma_start3A_263, %dma_start3A_264] : memref<10000x64xf32, #tpu.memory_space<vmem_shared>> -> memref<10000x64xf32, #tpu.memory_space<vmem_shared>>
      tpu.enqueue_indirect_dma source(%dma_start3A_259 : memref<80x64xf32, #tpu.memory_space<vmem>>) target(%dma_start3A_265 : memref<10000x64xf32, #tpu.memory_space<vmem_shared>>) offsets(%dma_start3A_262 : memref<80xi32, #tpu.memory_space<vmem>>) semaphore(%arg19 : memref<!tpu.dma_semaphore, #tpu.memory_space<semaphore_mem>>) {add = true}
      %dma_wait3A_266 = arith.constant 3 : i32
      %dma_wait3A_267 = arith.constant 0 : i32
      %dma_wait3A_268 = arith.constant 0 : i32
      %dma_wait3A_269 = tpu.memref_slice %arg9[%dma_wait3A_266, %dma_wait3A_267, %dma_wait3A_268] : memref<5x80x64xf32, #tpu.memory_space<vmem>> -> memref<1x80x64xf32, #tpu.memory_space<vmem>>
      %dma_wait3A_270 = tpu.memref_squeeze %dma_wait3A_269 : memref<1x80x64xf32, #tpu.memory_space<vmem>> -> memref<80x64xf32, #tpu.memory_space<vmem>>
      %dma_wait3A_271 = arith.constant 0 : i32
      %dma_wait3A_272 = tpu.memref_slice %arg8[%add3A_239, %dma_wait3A_271] : memref<250x80xi32, #tpu.memory_space<vmem>> -> memref<1x80xi32, #tpu.memory_space<vmem>>
      %dma_wait3A_273 = tpu.memref_squeeze %dma_wait3A_272 : memref<1x80xi32, #tpu.memory_space<vmem>> -> memref<80xi32, #tpu.memory_space<vmem>>
      %dma_wait3A_274 = arith.constant 0 : i32
      %dma_wait3A_275 = arith.constant 0 : i32
      %dma_wait3A_276 = tpu.memref_slice %arg10[%dma_wait3A_274, %dma_wait3A_275] : memref<10000x64xf32, #tpu.memory_space<vmem_shared>> -> memref<10000x64xf32, #tpu.memory_space<vmem_shared>>
      tpu.wait_indirect_dma semaphore(%arg19 : memref<!tpu.dma_semaphore, #tpu.memory_space<semaphore_mem>>) src(%dma_wait3A_270 : memref<80x64xf32, #tpu.memory_space<vmem>>) dst(%dma_wait3A_276 : memref<10000x64xf32, #tpu.memory_space<vmem_shared>>)
      %add3A_277 = arith.constant 5 : i32
      %add3A_278 = arith.addi %add3A_239, %add3A_277 : i32
      %lt3A_279 = arith.constant 250 : i32
      %lt3A_280 = arith.cmpi slt, %add3A_278, %lt3A_279 : i32
      %convert_element_type3A_281 = arith.extui %lt3A_280 : i1 to i32
      %cond3A_282 = arith.constant 0 : i32
      %cond3A_283 = arith.cmpi ne, %convert_element_type3A_281, %cond3A_282 : i32
      scf.if %cond3A_283 {
        %add3A_333 = arith.constant 5 : i32
        %add3A_334 = arith.addi %add3A_239, %add3A_333 : i32
        %dma_start3A_335 = arith.constant 3 : i32
        %dma_start3A_336 = arith.constant 0 : i32
        %dma_start3A_337 = arith.constant 0 : i32
        %dma_start3A_338 = tpu.memref_slice %arg9[%dma_start3A_335, %dma_start3A_336, %dma_start3A_337] : memref<5x80x64xf32, #tpu.memory_space<vmem>> -> memref<1x80x64xf32, #tpu.memory_space<vmem>>
        %dma_start3A_339 = tpu.memref_squeeze %dma_start3A_338 : memref<1x80x64xf32, #tpu.memory_space<vmem>> -> memref<80x64xf32, #tpu.memory_space<vmem>>
        %dma_start3A_340 = arith.constant 0 : i32
        %dma_start3A_341 = tpu.memref_slice %arg7[%add3A_334, %dma_start3A_340] : memref<250x80xi32, #tpu.memory_space<vmem>> -> memref<1x80xi32, #tpu.memory_space<vmem>>
        %dma_start3A_342 = tpu.memref_squeeze %dma_start3A_341 : memref<1x80xi32, #tpu.memory_space<vmem>> -> memref<80xi32, #tpu.memory_space<vmem>>
        %dma_start3A_343 = arith.constant 0 : i32
        %dma_start3A_344 = arith.constant 0 : i32
        %dma_start3A_345 = tpu.memref_slice %arg2[%arg0, %dma_start3A_343, %dma_start3A_344] : memref<2x10000x64xf32, #tpu.memory_space<hbm>> -> memref<1x10000x64xf32, #tpu.memory_space<hbm>>
        %dma_start3A_346 = tpu.memref_squeeze %dma_start3A_345 : memref<1x10000x64xf32, #tpu.memory_space<hbm>> -> memref<10000x64xf32, #tpu.memory_space<hbm>>
        %dma_start3A_347 = arith.constant 0 : i32
        %dma_start3A_348 = arith.constant 0 : i32
        %dma_start3A_349 = tpu.memref_slice %dma_start3A_346[%dma_start3A_347, %dma_start3A_348] : memref<10000x64xf32, #tpu.memory_space<hbm>> -> memref<10000x64xf32, #tpu.memory_space<hbm>>
        tpu.enqueue_indirect_dma source(%dma_start3A_349 : memref<10000x64xf32, #tpu.memory_space<hbm>>) target(%dma_start3A_339 : memref<80x64xf32, #tpu.memory_space<vmem>>) offsets(%dma_start3A_342 : memref<80xi32, #tpu.memory_space<vmem>>) semaphore(%arg14 : memref<!tpu.dma_semaphore, #tpu.memory_space<semaphore_mem>>)
      } else {
      }
      %mul3A_284 = arith.constant 5 : i32
      %mul3A_285 = arith.muli %mul3A_284, %scan3A_93 : i32
      %add3A_286 = arith.constant 4 : i32
      %add3A_287 = arith.addi %mul3A_285, %add3A_286 : i32
      %dma_wait3A_288 = arith.constant 4 : i32
      %dma_wait3A_289 = arith.constant 0 : i32
      %dma_wait3A_290 = arith.constant 0 : i32
      %dma_wait3A_291 = tpu.memref_slice %arg9[%dma_wait3A_288, %dma_wait3A_289, %dma_wait3A_290] : memref<5x80x64xf32, #tpu.memory_space<vmem>> -> memref<1x80x64xf32, #tpu.memory_space<vmem>>
      %dma_wait3A_292 = tpu.memref_squeeze %dma_wait3A_291 : memref<1x80x64xf32, #tpu.memory_space<vmem>> -> memref<80x64xf32, #tpu.memory_space<vmem>>
      %dma_wait3A_293 = arith.constant 0 : i32
      %dma_wait3A_294 = tpu.memref_slice %arg7[%add3A_287, %dma_wait3A_293] : memref<250x80xi32, #tpu.memory_space<vmem>> -> memref<1x80xi32, #tpu.memory_space<vmem>>
      %dma_wait3A_295 = tpu.memref_squeeze %dma_wait3A_294 : memref<1x80xi32, #tpu.memory_space<vmem>> -> memref<80xi32, #tpu.memory_space<vmem>>
      %dma_wait3A_296 = arith.constant 0 : i32
      %dma_wait3A_297 = arith.constant 0 : i32
      %dma_wait3A_298 = tpu.memref_slice %arg2[%arg0, %dma_wait3A_296, %dma_wait3A_297] : memref<2x10000x64xf32, #tpu.memory_space<hbm>> -> memref<1x10000x64xf32, #tpu.memory_space<hbm>>
      %dma_wait3A_299 = tpu.memref_squeeze %dma_wait3A_298 : memref<1x10000x64xf32, #tpu.memory_space<hbm>> -> memref<10000x64xf32, #tpu.memory_space<hbm>>
      %dma_wait3A_300 = arith.constant 0 : i32
      %dma_wait3A_301 = arith.constant 0 : i32
      %dma_wait3A_302 = tpu.memref_slice %dma_wait3A_299[%dma_wait3A_300, %dma_wait3A_301] : memref<10000x64xf32, #tpu.memory_space<hbm>> -> memref<10000x64xf32, #tpu.memory_space<hbm>>
      tpu.wait_indirect_dma semaphore(%arg15 : memref<!tpu.dma_semaphore, #tpu.memory_space<semaphore_mem>>) src(%dma_wait3A_302 : memref<10000x64xf32, #tpu.memory_space<hbm>>) dst(%dma_wait3A_292 : memref<80x64xf32, #tpu.memory_space<vmem>>)
      %dma_start3A_303 = arith.constant 4 : i32
      %dma_start3A_304 = arith.constant 0 : i32
      %dma_start3A_305 = arith.constant 0 : i32
      %dma_start3A_306 = tpu.memref_slice %arg9[%dma_start3A_303, %dma_start3A_304, %dma_start3A_305] : memref<5x80x64xf32, #tpu.memory_space<vmem>> -> memref<1x80x64xf32, #tpu.memory_space<vmem>>
      %dma_start3A_307 = tpu.memref_squeeze %dma_start3A_306 : memref<1x80x64xf32, #tpu.memory_space<vmem>> -> memref<80x64xf32, #tpu.memory_space<vmem>>
      %dma_start3A_308 = arith.constant 0 : i32
      %dma_start3A_309 = tpu.memref_slice %arg8[%add3A_287, %dma_start3A_308] : memref<250x80xi32, #tpu.memory_space<vmem>> -> memref<1x80xi32, #tpu.memory_space<vmem>>
      %dma_start3A_310 = tpu.memref_squeeze %dma_start3A_309 : memref<1x80xi32, #tpu.memory_space<vmem>> -> memref<80xi32, #tpu.memory_space<vmem>>
      %dma_start3A_311 = arith.constant 0 : i32
      %dma_start3A_312 = arith.constant 0 : i32
      %dma_start3A_313 = tpu.memref_slice %arg10[%dma_start3A_311, %dma_start3A_312] : memref<10000x64xf32, #tpu.memory_space<vmem_shared>> -> memref<10000x64xf32, #tpu.memory_space<vmem_shared>>
      tpu.enqueue_indirect_dma source(%dma_start3A_307 : memref<80x64xf32, #tpu.memory_space<vmem>>) target(%dma_start3A_313 : memref<10000x64xf32, #tpu.memory_space<vmem_shared>>) offsets(%dma_start3A_310 : memref<80xi32, #tpu.memory_space<vmem>>) semaphore(%arg20 : memref<!tpu.dma_semaphore, #tpu.memory_space<semaphore_mem>>) {add = true}
      %dma_wait3A_314 = arith.constant 4 : i32
      %dma_wait3A_315 = arith.constant 0 : i32
      %dma_wait3A_316 = arith.constant 0 : i32
      %dma_wait3A_317 = tpu.memref_slice %arg9[%dma_wait3A_314, %dma_wait3A_315, %dma_wait3A_316] : memref<5x80x64xf32, #tpu.memory_space<vmem>> -> memref<1x80x64xf32, #tpu.memory_space<vmem>>
      %dma_wait3A_318 = tpu.memref_squeeze %dma_wait3A_317 : memref<1x80x64xf32, #tpu.memory_space<vmem>> -> memref<80x64xf32, #tpu.memory_space<vmem>>
      %dma_wait3A_319 = arith.constant 0 : i32
      %dma_wait3A_320 = tpu.memref_slice %arg8[%add3A_287, %dma_wait3A_319] : memref<250x80xi32, #tpu.memory_space<vmem>> -> memref<1x80xi32, #tpu.memory_space<vmem>>
      %dma_wait3A_321 = tpu.memref_squeeze %dma_wait3A_320 : memref<1x80xi32, #tpu.memory_space<vmem>> -> memref<80xi32, #tpu.memory_space<vmem>>
      %dma_wait3A_322 = arith.constant 0 : i32
      %dma_wait3A_323 = arith.constant 0 : i32
      %dma_wait3A_324 = tpu.memref_slice %arg10[%dma_wait3A_322, %dma_wait3A_323] : memref<10000x64xf32, #tpu.memory_space<vmem_shared>> -> memref<10000x64xf32, #tpu.memory_space<vmem_shared>>
      tpu.wait_indirect_dma semaphore(%arg20 : memref<!tpu.dma_semaphore, #tpu.memory_space<semaphore_mem>>) src(%dma_wait3A_318 : memref<80x64xf32, #tpu.memory_space<vmem>>) dst(%dma_wait3A_324 : memref<10000x64xf32, #tpu.memory_space<vmem_shared>>)
      %add3A_325 = arith.constant 5 : i32
      %add3A_326 = arith.addi %add3A_287, %add3A_325 : i32
      %lt3A_327 = arith.constant 250 : i32
      %lt3A_328 = arith.cmpi slt, %add3A_326, %lt3A_327 : i32
      %convert_element_type3A_329 = arith.extui %lt3A_328 : i1 to i32
      %cond3A_330 = arith.constant 0 : i32
      %cond3A_331 = arith.cmpi ne, %convert_element_type3A_329, %cond3A_330 : i32
      scf.if %cond3A_331 {
        %add3A_333 = arith.constant 5 : i32
        %add3A_334 = arith.addi %add3A_287, %add3A_333 : i32
        %dma_start3A_335 = arith.constant 4 : i32
        %dma_start3A_336 = arith.constant 0 : i32
        %dma_start3A_337 = arith.constant 0 : i32
        %dma_start3A_338 = tpu.memref_slice %arg9[%dma_start3A_335, %dma_start3A_336, %dma_start3A_337] : memref<5x80x64xf32, #tpu.memory_space<vmem>> -> memref<1x80x64xf32, #tpu.memory_space<vmem>>
        %dma_start3A_339 = tpu.memref_squeeze %dma_start3A_338 : memref<1x80x64xf32, #tpu.memory_space<vmem>> -> memref<80x64xf32, #tpu.memory_space<vmem>>
        %dma_start3A_340 = arith.constant 0 : i32
        %dma_start3A_341 = tpu.memref_slice %arg7[%add3A_334, %dma_start3A_340] : memref<250x80xi32, #tpu.memory_space<vmem>> -> memref<1x80xi32, #tpu.memory_space<vmem>>
        %dma_start3A_342 = tpu.memref_squeeze %dma_start3A_341 : memref<1x80xi32, #tpu.memory_space<vmem>> -> memref<80xi32, #tpu.memory_space<vmem>>
        %dma_start3A_343 = arith.constant 0 : i32
        %dma_start3A_344 = arith.constant 0 : i32
        %dma_start3A_345 = tpu.memref_slice %arg2[%arg0, %dma_start3A_343, %dma_start3A_344] : memref<2x10000x64xf32, #tpu.memory_space<hbm>> -> memref<1x10000x64xf32, #tpu.memory_space<hbm>>
        %dma_start3A_346 = tpu.memref_squeeze %dma_start3A_345 : memref<1x10000x64xf32, #tpu.memory_space<hbm>> -> memref<10000x64xf32, #tpu.memory_space<hbm>>
        %dma_start3A_347 = arith.constant 0 : i32
        %dma_start3A_348 = arith.constant 0 : i32
        %dma_start3A_349 = tpu.memref_slice %dma_start3A_346[%dma_start3A_347, %dma_start3A_348] : memref<10000x64xf32, #tpu.memory_space<hbm>> -> memref<10000x64xf32, #tpu.memory_space<hbm>>
        tpu.enqueue_indirect_dma source(%dma_start3A_349 : memref<10000x64xf32, #tpu.memory_space<hbm>>) target(%dma_start3A_339 : memref<80x64xf32, #tpu.memory_space<vmem>>) offsets(%dma_start3A_342 : memref<80xi32, #tpu.memory_space<vmem>>) semaphore(%arg15 : memref<!tpu.dma_semaphore, #tpu.memory_space<semaphore_mem>>)
      } else {
      }
      %scan3A_332 = arith.constant 0 : i32
      scf.yield %scan3A_332 : i32
    }
    %scan3A_85 = arith.constant 50 : i32
    %barrier3A_86 = arith.constant 0 : index
    tpu.barrier barrier_id(%barrier3A_86)
    %mul3A_87 = arith.constant 624 : i32
    %mul3A_88 = arith.muli %arg1, %mul3A_87 : i32
    %mul3A_89 = arith.constant 624 : i32
    %mul3A_90 = arith.muli %arg1, %mul3A_89 : i32
    "tpu.region"() ({
      %run_scoped3A = tpu.sem_alloc : memref<!tpu.dma_semaphore, #tpu.memory_space<semaphore_mem>>
      %dma_start3A_93 = arith.constant 0 : i32
      %dma_start3A_94 = tpu.memref_slice %arg6[%arg0, %mul3A_90, %dma_start3A_93] : memref<2x10000x64xf32, #tpu.memory_space<hbm>> -> memref<1x624x64xf32, #tpu.memory_space<hbm>>
      %dma_start3A_95 = tpu.memref_squeeze %dma_start3A_94 : memref<1x624x64xf32, #tpu.memory_space<hbm>> -> memref<624x64xf32, #tpu.memory_space<hbm>>
      %dma_start3A_96 = arith.constant 0 : i32
      %dma_start3A_97 = tpu.memref_slice %arg10[%mul3A_88, %dma_start3A_96] : memref<10000x64xf32, #tpu.memory_space<vmem_shared>> -> memref<624x64xf32, #tpu.memory_space<vmem_shared>>
      tpu.enqueue_dma source(%dma_start3A_97 : memref<624x64xf32, #tpu.memory_space<vmem_shared>>) target(%dma_start3A_95 : memref<624x64xf32, #tpu.memory_space<hbm>>) target_semaphore(%run_scoped3A : memref<!tpu.dma_semaphore, #tpu.memory_space<semaphore_mem>>)
      %dma_wait3A = arith.constant 0 : i32
      %dma_wait3A_98 = tpu.memref_slice %arg6[%arg0, %mul3A_90, %dma_wait3A] : memref<2x10000x64xf32, #tpu.memory_space<hbm>> -> memref<1x624x64xf32, #tpu.memory_space<hbm>>
      %dma_wait3A_99 = tpu.memref_squeeze %dma_wait3A_98 : memref<1x624x64xf32, #tpu.memory_space<hbm>> -> memref<624x64xf32, #tpu.memory_space<hbm>>
      %dma_wait3A_100 = arith.constant 0 : i32
      %dma_wait3A_101 = tpu.memref_slice %arg10[%mul3A_88, %dma_wait3A_100] : memref<10000x64xf32, #tpu.memory_space<vmem_shared>> -> memref<624x64xf32, #tpu.memory_space<vmem_shared>>
      tpu.wait_dma2 semaphore(%run_scoped3A : memref<!tpu.dma_semaphore, #tpu.memory_space<semaphore_mem>>) src(%dma_wait3A_101 : memref<624x64xf32, #tpu.memory_space<vmem_shared>>) dst(%dma_wait3A_99 : memref<624x64xf32, #tpu.memory_space<hbm>>)
      tpu.yield
    }) : () -> ()
    %eq3A = arith.constant 15 : i32
    %eq3A_91 = arith.cmpi eq, %arg1, %eq3A : i32
    %convert_element_type3A = arith.extui %eq3A_91 : i1 to i32
    %cond3A = arith.constant 0 : i32
    %cond3A_92 = arith.cmpi ne, %convert_element_type3A, %cond3A : i32
    scf.if %cond3A_92 {
      "tpu.region"() ({
        %run_scoped3A = tpu.sem_alloc : memref<!tpu.dma_semaphore, #tpu.memory_space<semaphore_mem>>
        %dma_start3A_93 = arith.constant 9984 : i32
        %dma_start3A_94 = arith.constant 0 : i32
        %dma_start3A_95 = tpu.memref_slice %arg6[%arg0, %dma_start3A_93, %dma_start3A_94] : memref<2x10000x64xf32, #tpu.memory_space<hbm>> -> memref<1x16x64xf32, #tpu.memory_space<hbm>>
        %dma_start3A_96 = tpu.memref_squeeze %dma_start3A_95 : memref<1x16x64xf32, #tpu.memory_space<hbm>> -> memref<16x64xf32, #tpu.memory_space<hbm>>
        %dma_start3A_97 = arith.constant 9984 : i32
        %dma_start3A_98 = arith.constant 0 : i32
        %dma_start3A_99 = tpu.memref_slice %arg10[%dma_start3A_97, %dma_start3A_98] : memref<10000x64xf32, #tpu.memory_space<vmem_shared>> -> memref<16x64xf32, #tpu.memory_space<vmem_shared>>
        tpu.enqueue_dma source(%dma_start3A_99 : memref<16x64xf32, #tpu.memory_space<vmem_shared>>) target(%dma_start3A_96 : memref<16x64xf32, #tpu.memory_space<hbm>>) target_semaphore(%run_scoped3A : memref<!tpu.dma_semaphore, #tpu.memory_space<semaphore_mem>>)
        %dma_wait3A = arith.constant 9984 : i32
        %dma_wait3A_100 = arith.constant 0 : i32
        %dma_wait3A_101 = tpu.memref_slice %arg6[%arg0, %dma_wait3A, %dma_wait3A_100] : memref<2x10000x64xf32, #tpu.memory_space<hbm>> -> memref<1x16x64xf32, #tpu.memory_space<hbm>>
        %dma_wait3A_102 = tpu.memref_squeeze %dma_wait3A_101 : memref<1x16x64xf32, #tpu.memory_space<hbm>> -> memref<16x64xf32, #tpu.memory_space<hbm>>
        %dma_wait3A_103 = arith.constant 9984 : i32
        %dma_wait3A_104 = arith.constant 0 : i32
        %dma_wait3A_105 = tpu.memref_slice %arg10[%dma_wait3A_103, %dma_wait3A_104] : memref<10000x64xf32, #tpu.memory_space<vmem_shared>> -> memref<16x64xf32, #tpu.memory_space<vmem_shared>>
        tpu.wait_dma2 semaphore(%run_scoped3A : memref<!tpu.dma_semaphore, #tpu.memory_space<semaphore_mem>>) src(%dma_wait3A_105 : memref<16x64xf32, #tpu.memory_space<vmem_shared>>) dst(%dma_wait3A_102 : memref<16x64xf32, #tpu.memory_space<hbm>>)
        tpu.yield
      }) : () -> ()
    } else {
    }
    return
  }
}

#map = affine_map<(d0, d1) -> (0, 0, 0)>
#map1 = affine_map<(d0, d1) -> (0, 0)>
module attributes {stable_mosaic.version = 14 : i64} {
  func.func @_sc_aggregate_body(%arg0: i32, %arg1: i32, %arg2: memref<2x10000x64xf32, #tpu.memory_space<hbm>>, %arg3: memref<16x250x80xi32, #tpu.memory_space<hbm>>, %arg4: memref<16x250x80xi32, #tpu.memory_space<hbm>>, %arg5: memref<625x64xf32, #tpu.memory_space<hbm>>, %arg6: memref<2x10000x64xf32, #tpu.memory_space<hbm>>, %arg7: memref<250x80xi32, #tpu.memory_space<vmem>>, %arg8: memref<250x80xi32, #tpu.memory_space<vmem>>, %arg9: memref<5x80x64xf32, #tpu.memory_space<vmem>>, %arg10: memref<10000x64xf32, #tpu.memory_space<vmem_shared>>, %arg11: memref<!tpu.dma_semaphore, #tpu.memory_space<semaphore_mem>>, %arg12: memref<!tpu.dma_semaphore, #tpu.memory_space<semaphore_mem>>, %arg13: memref<!tpu.dma_semaphore, #tpu.memory_space<semaphore_mem>>, %arg14: memref<!tpu.dma_semaphore, #tpu.memory_space<semaphore_mem>>, %arg15: memref<!tpu.dma_semaphore, #tpu.memory_space<semaphore_mem>>, %arg16: memref<!tpu.dma_semaphore, #tpu.memory_space<semaphore_mem>>, %arg17: memref<!tpu.dma_semaphore, #tpu.memory_space<semaphore_mem>>, %arg18: memref<!tpu.dma_semaphore, #tpu.memory_space<semaphore_mem>>, %arg19: memref<!tpu.dma_semaphore, #tpu.memory_space<semaphore_mem>>, %arg20: memref<!tpu.dma_semaphore, #tpu.memory_space<semaphore_mem>>) attributes {dimension_semantics = [#tpu.dimension_semantics<core_parallel>, #tpu.dimension_semantics<subcore_parallel>], iteration_bounds = array<i64: 2, 16>, scalar_prefetch = 0 : i64, scratch_operands = 14 : i64, tpu.core_type = #tpu.core_type<sc_vector_subcore>, window_params = [{transform_indices = #map}, {transform_indices = #map}, {transform_indices = #map}, {transform_indices = #map1}, {transform_indices = #map}]} {
    "tpu.region"() ({
      %run_scoped3A = tpu.sem_alloc : memref<!tpu.dma_semaphore, #tpu.memory_space<semaphore_mem>>
      %dma_start3A_93 = arith.constant 0 : i32
      %dma_start3A_94 = arith.constant 0 : i32
      %dma_start3A_95 = tpu.memref_slice %arg3[%arg1, %dma_start3A_93, %dma_start3A_94] : memref<16x250x80xi32, #tpu.memory_space<hbm>> -> memref<1x250x80xi32, #tpu.memory_space<hbm>>
      %dma_start3A_96 = tpu.memref_squeeze %dma_start3A_95 : memref<1x250x80xi32, #tpu.memory_space<hbm>> -> memref<250x80xi32, #tpu.memory_space<hbm>>
      %dma_start3A_97 = arith.constant 0 : i32
      %dma_start3A_98 = arith.constant 0 : i32
      %dma_start3A_99 = tpu.memref_slice %arg3[%arg1, %dma_start3A_97, %dma_start3A_98] : memref<16x250x80xi32, #tpu.memory_space<hbm>> -> memref<1x250x80xi32, #tpu.memory_space<hbm>>
      %dma_start3A_100 = tpu.memref_squeeze %dma_start3A_99 : memref<1x250x80xi32, #tpu.memory_space<hbm>> -> memref<250x80xi32, #tpu.memory_space<hbm>>
      tpu.enqueue_dma source(%dma_start3A_100 : memref<250x80xi32, #tpu.memory_space<hbm>>) target(%arg7 : memref<250x80xi32, #tpu.memory_space<vmem>>) target_semaphore(%run_scoped3A : memref<!tpu.dma_semaphore, #tpu.memory_space<semaphore_mem>>)
      %dma_wait3A = arith.constant 0 : i32
      %dma_wait3A_101 = arith.constant 0 : i32
      %dma_wait3A_102 = tpu.memref_slice %arg3[%arg1, %dma_wait3A, %dma_wait3A_101] : memref<16x250x80xi32, #tpu.memory_space<hbm>> -> memref<1x250x80xi32, #tpu.memory_space<hbm>>
      %dma_wait3A_103 = tpu.memref_squeeze %dma_wait3A_102 : memref<1x250x80xi32, #tpu.memory_space<hbm>> -> memref<250x80xi32, #tpu.memory_space<hbm>>
      %dma_wait3A_104 = arith.constant 0 : i32
      %dma_wait3A_105 = arith.constant 0 : i32
      %dma_wait3A_106 = tpu.memref_slice %arg3[%arg1, %dma_wait3A_104, %dma_wait3A_105] : memref<16x250x80xi32, #tpu.memory_space<hbm>> -> memref<1x250x80xi32, #tpu.memory_space<hbm>>
      %dma_wait3A_107 = tpu.memref_squeeze %dma_wait3A_106 : memref<1x250x80xi32, #tpu.memory_space<hbm>> -> memref<250x80xi32, #tpu.memory_space<hbm>>
      tpu.wait_dma2 semaphore(%run_scoped3A : memref<!tpu.dma_semaphore, #tpu.memory_space<semaphore_mem>>) src(%dma_wait3A_107 : memref<250x80xi32, #tpu.memory_space<hbm>>) dst(%arg7 : memref<250x80xi32, #tpu.memory_space<vmem>>)
      tpu.yield
    }) : () -> ()
    "tpu.region"() ({
      %run_scoped3A = tpu.sem_alloc : memref<!tpu.dma_semaphore, #tpu.memory_space<semaphore_mem>>
      %dma_start3A_93 = arith.constant 0 : i32
      %dma_start3A_94 = arith.constant 0 : i32
      %dma_start3A_95 = tpu.memref_slice %arg4[%arg1, %dma_start3A_93, %dma_start3A_94] : memref<16x250x80xi32, #tpu.memory_space<hbm>> -> memref<1x250x80xi32, #tpu.memory_space<hbm>>
      %dma_start3A_96 = tpu.memref_squeeze %dma_start3A_95 : memref<1x250x80xi32, #tpu.memory_space<hbm>> -> memref<250x80xi32, #tpu.memory_space<hbm>>
      %dma_start3A_97 = arith.constant 0 : i32
      %dma_start3A_98 = arith.constant 0 : i32
      %dma_start3A_99 = tpu.memref_slice %arg4[%arg1, %dma_start3A_97, %dma_start3A_98] : memref<16x250x80xi32, #tpu.memory_space<hbm>> -> memref<1x250x80xi32, #tpu.memory_space<hbm>>
      %dma_start3A_100 = tpu.memref_squeeze %dma_start3A_99 : memref<1x250x80xi32, #tpu.memory_space<hbm>> -> memref<250x80xi32, #tpu.memory_space<hbm>>
      tpu.enqueue_dma source(%dma_start3A_100 : memref<250x80xi32, #tpu.memory_space<hbm>>) target(%arg8 : memref<250x80xi32, #tpu.memory_space<vmem>>) target_semaphore(%run_scoped3A : memref<!tpu.dma_semaphore, #tpu.memory_space<semaphore_mem>>)
      %dma_wait3A = arith.constant 0 : i32
      %dma_wait3A_101 = arith.constant 0 : i32
      %dma_wait3A_102 = tpu.memref_slice %arg4[%arg1, %dma_wait3A, %dma_wait3A_101] : memref<16x250x80xi32, #tpu.memory_space<hbm>> -> memref<1x250x80xi32, #tpu.memory_space<hbm>>
      %dma_wait3A_103 = tpu.memref_squeeze %dma_wait3A_102 : memref<1x250x80xi32, #tpu.memory_space<hbm>> -> memref<250x80xi32, #tpu.memory_space<hbm>>
      %dma_wait3A_104 = arith.constant 0 : i32
      %dma_wait3A_105 = arith.constant 0 : i32
      %dma_wait3A_106 = tpu.memref_slice %arg4[%arg1, %dma_wait3A_104, %dma_wait3A_105] : memref<16x250x80xi32, #tpu.memory_space<hbm>> -> memref<1x250x80xi32, #tpu.memory_space<hbm>>
      %dma_wait3A_107 = tpu.memref_squeeze %dma_wait3A_106 : memref<1x250x80xi32, #tpu.memory_space<hbm>> -> memref<250x80xi32, #tpu.memory_space<hbm>>
      tpu.wait_dma2 semaphore(%run_scoped3A : memref<!tpu.dma_semaphore, #tpu.memory_space<semaphore_mem>>) src(%dma_wait3A_107 : memref<250x80xi32, #tpu.memory_space<hbm>>) dst(%arg8 : memref<250x80xi32, #tpu.memory_space<vmem>>)
      tpu.yield
    }) : () -> ()
    %mul3A = arith.constant 625 : i32
    %mul3A_0 = arith.muli %arg1, %mul3A : i32
    "tpu.region"() ({
      %run_scoped3A = tpu.sem_alloc : memref<!tpu.dma_semaphore, #tpu.memory_space<semaphore_mem>>
      %dma_start3A_93 = arith.constant 0 : i32
      %dma_start3A_94 = tpu.memref_slice %arg10[%mul3A_0, %dma_start3A_93] : memref<10000x64xf32, #tpu.memory_space<vmem_shared>> -> memref<625x64xf32, #tpu.memory_space<vmem_shared>>
      tpu.enqueue_dma source(%arg5 : memref<625x64xf32, #tpu.memory_space<hbm>>) target(%dma_start3A_94 : memref<625x64xf32, #tpu.memory_space<vmem_shared>>) target_semaphore(%run_scoped3A : memref<!tpu.dma_semaphore, #tpu.memory_space<semaphore_mem>>)
      %dma_wait3A = arith.constant 0 : i32
      %dma_wait3A_95 = tpu.memref_slice %arg10[%mul3A_0, %dma_wait3A] : memref<10000x64xf32, #tpu.memory_space<vmem_shared>> -> memref<625x64xf32, #tpu.memory_space<vmem_shared>>
      tpu.wait_dma2 semaphore(%run_scoped3A : memref<!tpu.dma_semaphore, #tpu.memory_space<semaphore_mem>>) src(%arg5 : memref<625x64xf32, #tpu.memory_space<hbm>>) dst(%dma_wait3A_95 : memref<625x64xf32, #tpu.memory_space<vmem_shared>>)
      tpu.yield
    }) : () -> ()
    %barrier3A = arith.constant 0 : index
    tpu.barrier barrier_id(%barrier3A)
    %dma_start3A = arith.constant 0 : i32
    %dma_start3A_1 = arith.constant 0 : i32
    %dma_start3A_2 = arith.constant 0 : i32
    %dma_start3A_3 = arith.constant 0 : i32
    %dma_start3A_4 = tpu.memref_slice %arg9[%dma_start3A_1, %dma_start3A_2, %dma_start3A_3] : memref<5x80x64xf32, #tpu.memory_space<vmem>> -> memref<1x80x64xf32, #tpu.memory_space<vmem>>
    %dma_start3A_5 = tpu.memref_squeeze %dma_start3A_4 : memref<1x80x64xf32, #tpu.memory_space<vmem>> -> memref<80x64xf32, #tpu.memory_space<vmem>>
    %dma_start3A_6 = arith.constant 0 : i32
    %dma_start3A_7 = tpu.memref_slice %arg7[%dma_start3A, %dma_start3A_6] : memref<250x80xi32, #tpu.memory_space<vmem>> -> memref<1x80xi32, #tpu.memory_space<vmem>>
    %dma_start3A_8 = tpu.memref_squeeze %dma_start3A_7 : memref<1x80xi32, #tpu.memory_space<vmem>> -> memref<80xi32, #tpu.memory_space<vmem>>
    %dma_start3A_9 = arith.constant 0 : i32
    %dma_start3A_10 = arith.constant 0 : i32
    %dma_start3A_11 = tpu.memref_slice %arg2[%arg0, %dma_start3A_9, %dma_start3A_10] : memref<2x10000x64xf32, #tpu.memory_space<hbm>> -> memref<1x10000x64xf32, #tpu.memory_space<hbm>>
    %dma_start3A_12 = tpu.memref_squeeze %dma_start3A_11 : memref<1x10000x64xf32, #tpu.memory_space<hbm>> -> memref<10000x64xf32, #tpu.memory_space<hbm>>
    %dma_start3A_13 = arith.constant 0 : i32
    %dma_start3A_14 = arith.constant 0 : i32
    %dma_start3A_15 = tpu.memref_slice %dma_start3A_12[%dma_start3A_13, %dma_start3A_14] : memref<10000x64xf32, #tpu.memory_space<hbm>> -> memref<10000x64xf32, #tpu.memory_space<hbm>>
    tpu.enqueue_indirect_dma source(%dma_start3A_15 : memref<10000x64xf32, #tpu.memory_space<hbm>>) target(%dma_start3A_5 : memref<80x64xf32, #tpu.memory_space<vmem>>) offsets(%dma_start3A_8 : memref<80xi32, #tpu.memory_space<vmem>>) semaphore(%arg11 : memref<!tpu.dma_semaphore, #tpu.memory_space<semaphore_mem>>)
    %dma_start3A_16 = arith.constant 1 : i32
    %dma_start3A_17 = arith.constant 1 : i32
    %dma_start3A_18 = arith.constant 0 : i32
    %dma_start3A_19 = arith.constant 0 : i32
    %dma_start3A_20 = tpu.memref_slice %arg9[%dma_start3A_17, %dma_start3A_18, %dma_start3A_19] : memref<5x80x64xf32, #tpu.memory_space<vmem>> -> memref<1x80x64xf32, #tpu.memory_space<vmem>>
    %dma_start3A_21 = tpu.memref_squeeze %dma_start3A_20 : memref<1x80x64xf32, #tpu.memory_space<vmem>> -> memref<80x64xf32, #tpu.memory_space<vmem>>
    %dma_start3A_22 = arith.constant 0 : i32
    %dma_start3A_23 = tpu.memref_slice %arg7[%dma_start3A_16, %dma_start3A_22] : memref<250x80xi32, #tpu.memory_space<vmem>> -> memref<1x80xi32, #tpu.memory_space<vmem>>
    %dma_start3A_24 = tpu.memref_squeeze %dma_start3A_23 : memref<1x80xi32, #tpu.memory_space<vmem>> -> memref<80xi32, #tpu.memory_space<vmem>>
    %dma_start3A_25 = arith.constant 0 : i32
    %dma_start3A_26 = arith.constant 0 : i32
    %dma_start3A_27 = tpu.memref_slice %arg2[%arg0, %dma_start3A_25, %dma_start3A_26] : memref<2x10000x64xf32, #tpu.memory_space<hbm>> -> memref<1x10000x64xf32, #tpu.memory_space<hbm>>
    %dma_start3A_28 = tpu.memref_squeeze %dma_start3A_27 : memref<1x10000x64xf32, #tpu.memory_space<hbm>> -> memref<10000x64xf32, #tpu.memory_space<hbm>>
    %dma_start3A_29 = arith.constant 0 : i32
    %dma_start3A_30 = arith.constant 0 : i32
    %dma_start3A_31 = tpu.memref_slice %dma_start3A_28[%dma_start3A_29, %dma_start3A_30] : memref<10000x64xf32, #tpu.memory_space<hbm>> -> memref<10000x64xf32, #tpu.memory_space<hbm>>
    tpu.enqueue_indirect_dma source(%dma_start3A_31 : memref<10000x64xf32, #tpu.memory_space<hbm>>) target(%dma_start3A_21 : memref<80x64xf32, #tpu.memory_space<vmem>>) offsets(%dma_start3A_24 : memref<80xi32, #tpu.memory_space<vmem>>) semaphore(%arg12 : memref<!tpu.dma_semaphore, #tpu.memory_space<semaphore_mem>>)
    %dma_start3A_32 = arith.constant 2 : i32
    %dma_start3A_33 = arith.constant 2 : i32
    %dma_start3A_34 = arith.constant 0 : i32
    %dma_start3A_35 = arith.constant 0 : i32
    %dma_start3A_36 = tpu.memref_slice %arg9[%dma_start3A_33, %dma_start3A_34, %dma_start3A_35] : memref<5x80x64xf32, #tpu.memory_space<vmem>> -> memref<1x80x64xf32, #tpu.memory_space<vmem>>
    %dma_start3A_37 = tpu.memref_squeeze %dma_start3A_36 : memref<1x80x64xf32, #tpu.memory_space<vmem>> -> memref<80x64xf32, #tpu.memory_space<vmem>>
    %dma_start3A_38 = arith.constant 0 : i32
    %dma_start3A_39 = tpu.memref_slice %arg7[%dma_start3A_32, %dma_start3A_38] : memref<250x80xi32, #tpu.memory_space<vmem>> -> memref<1x80xi32, #tpu.memory_space<vmem>>
    %dma_start3A_40 = tpu.memref_squeeze %dma_start3A_39 : memref<1x80xi32, #tpu.memory_space<vmem>> -> memref<80xi32, #tpu.memory_space<vmem>>
    %dma_start3A_41 = arith.constant 0 : i32
    %dma_start3A_42 = arith.constant 0 : i32
    %dma_start3A_43 = tpu.memref_slice %arg2[%arg0, %dma_start3A_41, %dma_start3A_42] : memref<2x10000x64xf32, #tpu.memory_space<hbm>> -> memref<1x10000x64xf32, #tpu.memory_space<hbm>>
    %dma_start3A_44 = tpu.memref_squeeze %dma_start3A_43 : memref<1x10000x64xf32, #tpu.memory_space<hbm>> -> memref<10000x64xf32, #tpu.memory_space<hbm>>
    %dma_start3A_45 = arith.constant 0 : i32
    %dma_start3A_46 = arith.constant 0 : i32
    %dma_start3A_47 = tpu.memref_slice %dma_start3A_44[%dma_start3A_45, %dma_start3A_46] : memref<10000x64xf32, #tpu.memory_space<hbm>> -> memref<10000x64xf32, #tpu.memory_space<hbm>>
    tpu.enqueue_indirect_dma source(%dma_start3A_47 : memref<10000x64xf32, #tpu.memory_space<hbm>>) target(%dma_start3A_37 : memref<80x64xf32, #tpu.memory_space<vmem>>) offsets(%dma_start3A_40 : memref<80xi32, #tpu.memory_space<vmem>>) semaphore(%arg13 : memref<!tpu.dma_semaphore, #tpu.memory_space<semaphore_mem>>)
    %dma_start3A_48 = arith.constant 3 : i32
    %dma_start3A_49 = arith.constant 3 : i32
    %dma_start3A_50 = arith.constant 0 : i32
    %dma_start3A_51 = arith.constant 0 : i32
    %dma_start3A_52 = tpu.memref_slice %arg9[%dma_start3A_49, %dma_start3A_50, %dma_start3A_51] : memref<5x80x64xf32, #tpu.memory_space<vmem>> -> memref<1x80x64xf32, #tpu.memory_space<vmem>>
    %dma_start3A_53 = tpu.memref_squeeze %dma_start3A_52 : memref<1x80x64xf32, #tpu.memory_space<vmem>> -> memref<80x64xf32, #tpu.memory_space<vmem>>
    %dma_start3A_54 = arith.constant 0 : i32
    %dma_start3A_55 = tpu.memref_slice %arg7[%dma_start3A_48, %dma_start3A_54] : memref<250x80xi32, #tpu.memory_space<vmem>> -> memref<1x80xi32, #tpu.memory_space<vmem>>
    %dma_start3A_56 = tpu.memref_squeeze %dma_start3A_55 : memref<1x80xi32, #tpu.memory_space<vmem>> -> memref<80xi32, #tpu.memory_space<vmem>>
    %dma_start3A_57 = arith.constant 0 : i32
    %dma_start3A_58 = arith.constant 0 : i32
    %dma_start3A_59 = tpu.memref_slice %arg2[%arg0, %dma_start3A_57, %dma_start3A_58] : memref<2x10000x64xf32, #tpu.memory_space<hbm>> -> memref<1x10000x64xf32, #tpu.memory_space<hbm>>
    %dma_start3A_60 = tpu.memref_squeeze %dma_start3A_59 : memref<1x10000x64xf32, #tpu.memory_space<hbm>> -> memref<10000x64xf32, #tpu.memory_space<hbm>>
    %dma_start3A_61 = arith.constant 0 : i32
    %dma_start3A_62 = arith.constant 0 : i32
    %dma_start3A_63 = tpu.memref_slice %dma_start3A_60[%dma_start3A_61, %dma_start3A_62] : memref<10000x64xf32, #tpu.memory_space<hbm>> -> memref<10000x64xf32, #tpu.memory_space<hbm>>
    tpu.enqueue_indirect_dma source(%dma_start3A_63 : memref<10000x64xf32, #tpu.memory_space<hbm>>) target(%dma_start3A_53 : memref<80x64xf32, #tpu.memory_space<vmem>>) offsets(%dma_start3A_56 : memref<80xi32, #tpu.memory_space<vmem>>) semaphore(%arg14 : memref<!tpu.dma_semaphore, #tpu.memory_space<semaphore_mem>>)
    %dma_start3A_64 = arith.constant 4 : i32
    %dma_start3A_65 = arith.constant 4 : i32
    %dma_start3A_66 = arith.constant 0 : i32
    %dma_start3A_67 = arith.constant 0 : i32
    %dma_start3A_68 = tpu.memref_slice %arg9[%dma_start3A_65, %dma_start3A_66, %dma_start3A_67] : memref<5x80x64xf32, #tpu.memory_space<vmem>> -> memref<1x80x64xf32, #tpu.memory_space<vmem>>
    %dma_start3A_69 = tpu.memref_squeeze %dma_start3A_68 : memref<1x80x64xf32, #tpu.memory_space<vmem>> -> memref<80x64xf32, #tpu.memory_space<vmem>>
    %dma_start3A_70 = arith.constant 0 : i32
    %dma_start3A_71 = tpu.memref_slice %arg7[%dma_start3A_64, %dma_start3A_70] : memref<250x80xi32, #tpu.memory_space<vmem>> -> memref<1x80xi32, #tpu.memory_space<vmem>>
    %dma_start3A_72 = tpu.memref_squeeze %dma_start3A_71 : memref<1x80xi32, #tpu.memory_space<vmem>> -> memref<80xi32, #tpu.memory_space<vmem>>
    %dma_start3A_73 = arith.constant 0 : i32
    %dma_start3A_74 = arith.constant 0 : i32
    %dma_start3A_75 = tpu.memref_slice %arg2[%arg0, %dma_start3A_73, %dma_start3A_74] : memref<2x10000x64xf32, #tpu.memory_space<hbm>> -> memref<1x10000x64xf32, #tpu.memory_space<hbm>>
    %dma_start3A_76 = tpu.memref_squeeze %dma_start3A_75 : memref<1x10000x64xf32, #tpu.memory_space<hbm>> -> memref<10000x64xf32, #tpu.memory_space<hbm>>
    %dma_start3A_77 = arith.constant 0 : i32
    %dma_start3A_78 = arith.constant 0 : i32
    %dma_start3A_79 = tpu.memref_slice %dma_start3A_76[%dma_start3A_77, %dma_start3A_78] : memref<10000x64xf32, #tpu.memory_space<hbm>> -> memref<10000x64xf32, #tpu.memory_space<hbm>>
    tpu.enqueue_indirect_dma source(%dma_start3A_79 : memref<10000x64xf32, #tpu.memory_space<hbm>>) target(%dma_start3A_69 : memref<80x64xf32, #tpu.memory_space<vmem>>) offsets(%dma_start3A_72 : memref<80xi32, #tpu.memory_space<vmem>>) semaphore(%arg15 : memref<!tpu.dma_semaphore, #tpu.memory_space<semaphore_mem>>)
    %scan3A = arith.constant 0 : i32
    %scan3A_80 = arith.constant 0 : i32
    %scan3A_81 = arith.constant 50 : i32
    %scan3A_82 = arith.addi %scan3A_80, %scan3A_81 : i32
    %scan3A_83 = arith.constant 1 : i32
    %scan3A_84 = scf.for %scan3A_93 = %scan3A_80 to %scan3A_82 step %scan3A_83 iter_args(%scan3A_94 = %scan3A) -> (i32)  : i32 {
      %mul3A_95 = arith.constant 5 : i32
      %mul3A_96 = arith.muli %mul3A_95, %scan3A_93 : i32
      %add3A = arith.constant 0 : i32
      %add3A_97 = arith.addi %mul3A_96, %add3A : i32
      %dma_wait3A = arith.constant 0 : i32
      %dma_wait3A_98 = arith.constant 0 : i32
      %dma_wait3A_99 = arith.constant 0 : i32
      %dma_wait3A_100 = tpu.memref_slice %arg9[%dma_wait3A, %dma_wait3A_98, %dma_wait3A_99] : memref<5x80x64xf32, #tpu.memory_space<vmem>> -> memref<1x80x64xf32, #tpu.memory_space<vmem>>
      %dma_wait3A_101 = tpu.memref_squeeze %dma_wait3A_100 : memref<1x80x64xf32, #tpu.memory_space<vmem>> -> memref<80x64xf32, #tpu.memory_space<vmem>>
      %dma_wait3A_102 = arith.constant 0 : i32
      %dma_wait3A_103 = tpu.memref_slice %arg7[%add3A_97, %dma_wait3A_102] : memref<250x80xi32, #tpu.memory_space<vmem>> -> memref<1x80xi32, #tpu.memory_space<vmem>>
      %dma_wait3A_104 = tpu.memref_squeeze %dma_wait3A_103 : memref<1x80xi32, #tpu.memory_space<vmem>> -> memref<80xi32, #tpu.memory_space<vmem>>
      %dma_wait3A_105 = arith.constant 0 : i32
      %dma_wait3A_106 = arith.constant 0 : i32
      %dma_wait3A_107 = tpu.memref_slice %arg2[%arg0, %dma_wait3A_105, %dma_wait3A_106] : memref<2x10000x64xf32, #tpu.memory_space<hbm>> -> memref<1x10000x64xf32, #tpu.memory_space<hbm>>
      %dma_wait3A_108 = tpu.memref_squeeze %dma_wait3A_107 : memref<1x10000x64xf32, #tpu.memory_space<hbm>> -> memref<10000x64xf32, #tpu.memory_space<hbm>>
      %dma_wait3A_109 = arith.constant 0 : i32
      %dma_wait3A_110 = arith.constant 0 : i32
      %dma_wait3A_111 = tpu.memref_slice %dma_wait3A_108[%dma_wait3A_109, %dma_wait3A_110] : memref<10000x64xf32, #tpu.memory_space<hbm>> -> memref<10000x64xf32, #tpu.memory_space<hbm>>
      tpu.wait_indirect_dma semaphore(%arg11 : memref<!tpu.dma_semaphore, #tpu.memory_space<semaphore_mem>>) src(%dma_wait3A_111 : memref<10000x64xf32, #tpu.memory_space<hbm>>) dst(%dma_wait3A_101 : memref<80x64xf32, #tpu.memory_space<vmem>>)
      %dma_start3A_112 = arith.constant 0 : i32
      %dma_start3A_113 = arith.constant 0 : i32
      %dma_start3A_114 = arith.constant 0 : i32
      %dma_start3A_115 = tpu.memref_slice %arg9[%dma_start3A_112, %dma_start3A_113, %dma_start3A_114] : memref<5x80x64xf32, #tpu.memory_space<vmem>> -> memref<1x80x64xf32, #tpu.memory_space<vmem>>
      %dma_start3A_116 = tpu.memref_squeeze %dma_start3A_115 : memref<1x80x64xf32, #tpu.memory_space<vmem>> -> memref<80x64xf32, #tpu.memory_space<vmem>>
      %dma_start3A_117 = arith.constant 0 : i32
      %dma_start3A_118 = tpu.memref_slice %arg8[%add3A_97, %dma_start3A_117] : memref<250x80xi32, #tpu.memory_space<vmem>> -> memref<1x80xi32, #tpu.memory_space<vmem>>
      %dma_start3A_119 = tpu.memref_squeeze %dma_start3A_118 : memref<1x80xi32, #tpu.memory_space<vmem>> -> memref<80xi32, #tpu.memory_space<vmem>>
      %dma_start3A_120 = arith.constant 0 : i32
      %dma_start3A_121 = arith.constant 0 : i32
      %dma_start3A_122 = tpu.memref_slice %arg10[%dma_start3A_120, %dma_start3A_121] : memref<10000x64xf32, #tpu.memory_space<vmem_shared>> -> memref<10000x64xf32, #tpu.memory_space<vmem_shared>>
      tpu.enqueue_indirect_dma source(%dma_start3A_116 : memref<80x64xf32, #tpu.memory_space<vmem>>) target(%dma_start3A_122 : memref<10000x64xf32, #tpu.memory_space<vmem_shared>>) offsets(%dma_start3A_119 : memref<80xi32, #tpu.memory_space<vmem>>) semaphore(%arg16 : memref<!tpu.dma_semaphore, #tpu.memory_space<semaphore_mem>>) {add = true}
      %dma_wait3A_123 = arith.constant 0 : i32
      %dma_wait3A_124 = arith.constant 0 : i32
      %dma_wait3A_125 = arith.constant 0 : i32
      %dma_wait3A_126 = tpu.memref_slice %arg9[%dma_wait3A_123, %dma_wait3A_124, %dma_wait3A_125] : memref<5x80x64xf32, #tpu.memory_space<vmem>> -> memref<1x80x64xf32, #tpu.memory_space<vmem>>
      %dma_wait3A_127 = tpu.memref_squeeze %dma_wait3A_126 : memref<1x80x64xf32, #tpu.memory_space<vmem>> -> memref<80x64xf32, #tpu.memory_space<vmem>>
      %dma_wait3A_128 = arith.constant 0 : i32
      %dma_wait3A_129 = tpu.memref_slice %arg8[%add3A_97, %dma_wait3A_128] : memref<250x80xi32, #tpu.memory_space<vmem>> -> memref<1x80xi32, #tpu.memory_space<vmem>>
      %dma_wait3A_130 = tpu.memref_squeeze %dma_wait3A_129 : memref<1x80xi32, #tpu.memory_space<vmem>> -> memref<80xi32, #tpu.memory_space<vmem>>
      %dma_wait3A_131 = arith.constant 0 : i32
      %dma_wait3A_132 = arith.constant 0 : i32
      %dma_wait3A_133 = tpu.memref_slice %arg10[%dma_wait3A_131, %dma_wait3A_132] : memref<10000x64xf32, #tpu.memory_space<vmem_shared>> -> memref<10000x64xf32, #tpu.memory_space<vmem_shared>>
      tpu.wait_indirect_dma semaphore(%arg16 : memref<!tpu.dma_semaphore, #tpu.memory_space<semaphore_mem>>) src(%dma_wait3A_127 : memref<80x64xf32, #tpu.memory_space<vmem>>) dst(%dma_wait3A_133 : memref<10000x64xf32, #tpu.memory_space<vmem_shared>>)
      %add3A_134 = arith.constant 5 : i32
      %add3A_135 = arith.addi %add3A_97, %add3A_134 : i32
      %lt3A = arith.constant 250 : i32
      %lt3A_136 = arith.cmpi slt, %add3A_135, %lt3A : i32
      %convert_element_type3A_137 = arith.extui %lt3A_136 : i1 to i32
      %cond3A_138 = arith.constant 0 : i32
      %cond3A_139 = arith.cmpi ne, %convert_element_type3A_137, %cond3A_138 : i32
      scf.if %cond3A_139 {
        %add3A_333 = arith.constant 5 : i32
        %add3A_334 = arith.addi %add3A_97, %add3A_333 : i32
        %dma_start3A_335 = arith.constant 0 : i32
        %dma_start3A_336 = arith.constant 0 : i32
        %dma_start3A_337 = arith.constant 0 : i32
        %dma_start3A_338 = tpu.memref_slice %arg9[%dma_start3A_335, %dma_start3A_336, %dma_start3A_337] : memref<5x80x64xf32, #tpu.memory_space<vmem>> -> memref<1x80x64xf32, #tpu.memory_space<vmem>>
        %dma_start3A_339 = tpu.memref_squeeze %dma_start3A_338 : memref<1x80x64xf32, #tpu.memory_space<vmem>> -> memref<80x64xf32, #tpu.memory_space<vmem>>
        %dma_start3A_340 = arith.constant 0 : i32
        %dma_start3A_341 = tpu.memref_slice %arg7[%add3A_334, %dma_start3A_340] : memref<250x80xi32, #tpu.memory_space<vmem>> -> memref<1x80xi32, #tpu.memory_space<vmem>>
        %dma_start3A_342 = tpu.memref_squeeze %dma_start3A_341 : memref<1x80xi32, #tpu.memory_space<vmem>> -> memref<80xi32, #tpu.memory_space<vmem>>
        %dma_start3A_343 = arith.constant 0 : i32
        %dma_start3A_344 = arith.constant 0 : i32
        %dma_start3A_345 = tpu.memref_slice %arg2[%arg0, %dma_start3A_343, %dma_start3A_344] : memref<2x10000x64xf32, #tpu.memory_space<hbm>> -> memref<1x10000x64xf32, #tpu.memory_space<hbm>>
        %dma_start3A_346 = tpu.memref_squeeze %dma_start3A_345 : memref<1x10000x64xf32, #tpu.memory_space<hbm>> -> memref<10000x64xf32, #tpu.memory_space<hbm>>
        %dma_start3A_347 = arith.constant 0 : i32
        %dma_start3A_348 = arith.constant 0 : i32
        %dma_start3A_349 = tpu.memref_slice %dma_start3A_346[%dma_start3A_347, %dma_start3A_348] : memref<10000x64xf32, #tpu.memory_space<hbm>> -> memref<10000x64xf32, #tpu.memory_space<hbm>>
        tpu.enqueue_indirect_dma source(%dma_start3A_349 : memref<10000x64xf32, #tpu.memory_space<hbm>>) target(%dma_start3A_339 : memref<80x64xf32, #tpu.memory_space<vmem>>) offsets(%dma_start3A_342 : memref<80xi32, #tpu.memory_space<vmem>>) semaphore(%arg11 : memref<!tpu.dma_semaphore, #tpu.memory_space<semaphore_mem>>)
      } else {
      }
      %mul3A_140 = arith.constant 5 : i32
      %mul3A_141 = arith.muli %mul3A_140, %scan3A_93 : i32
      %add3A_142 = arith.constant 1 : i32
      %add3A_143 = arith.addi %mul3A_141, %add3A_142 : i32
      %dma_wait3A_144 = arith.constant 1 : i32
      %dma_wait3A_145 = arith.constant 0 : i32
      %dma_wait3A_146 = arith.constant 0 : i32
      %dma_wait3A_147 = tpu.memref_slice %arg9[%dma_wait3A_144, %dma_wait3A_145, %dma_wait3A_146] : memref<5x80x64xf32, #tpu.memory_space<vmem>> -> memref<1x80x64xf32, #tpu.memory_space<vmem>>
      %dma_wait3A_148 = tpu.memref_squeeze %dma_wait3A_147 : memref<1x80x64xf32, #tpu.memory_space<vmem>> -> memref<80x64xf32, #tpu.memory_space<vmem>>
      %dma_wait3A_149 = arith.constant 0 : i32
      %dma_wait3A_150 = tpu.memref_slice %arg7[%add3A_143, %dma_wait3A_149] : memref<250x80xi32, #tpu.memory_space<vmem>> -> memref<1x80xi32, #tpu.memory_space<vmem>>
      %dma_wait3A_151 = tpu.memref_squeeze %dma_wait3A_150 : memref<1x80xi32, #tpu.memory_space<vmem>> -> memref<80xi32, #tpu.memory_space<vmem>>
      %dma_wait3A_152 = arith.constant 0 : i32
      %dma_wait3A_153 = arith.constant 0 : i32
      %dma_wait3A_154 = tpu.memref_slice %arg2[%arg0, %dma_wait3A_152, %dma_wait3A_153] : memref<2x10000x64xf32, #tpu.memory_space<hbm>> -> memref<1x10000x64xf32, #tpu.memory_space<hbm>>
      %dma_wait3A_155 = tpu.memref_squeeze %dma_wait3A_154 : memref<1x10000x64xf32, #tpu.memory_space<hbm>> -> memref<10000x64xf32, #tpu.memory_space<hbm>>
      %dma_wait3A_156 = arith.constant 0 : i32
      %dma_wait3A_157 = arith.constant 0 : i32
      %dma_wait3A_158 = tpu.memref_slice %dma_wait3A_155[%dma_wait3A_156, %dma_wait3A_157] : memref<10000x64xf32, #tpu.memory_space<hbm>> -> memref<10000x64xf32, #tpu.memory_space<hbm>>
      tpu.wait_indirect_dma semaphore(%arg12 : memref<!tpu.dma_semaphore, #tpu.memory_space<semaphore_mem>>) src(%dma_wait3A_158 : memref<10000x64xf32, #tpu.memory_space<hbm>>) dst(%dma_wait3A_148 : memref<80x64xf32, #tpu.memory_space<vmem>>)
      %dma_start3A_159 = arith.constant 1 : i32
      %dma_start3A_160 = arith.constant 0 : i32
      %dma_start3A_161 = arith.constant 0 : i32
      %dma_start3A_162 = tpu.memref_slice %arg9[%dma_start3A_159, %dma_start3A_160, %dma_start3A_161] : memref<5x80x64xf32, #tpu.memory_space<vmem>> -> memref<1x80x64xf32, #tpu.memory_space<vmem>>
      %dma_start3A_163 = tpu.memref_squeeze %dma_start3A_162 : memref<1x80x64xf32, #tpu.memory_space<vmem>> -> memref<80x64xf32, #tpu.memory_space<vmem>>
      %dma_start3A_164 = arith.constant 0 : i32
      %dma_start3A_165 = tpu.memref_slice %arg8[%add3A_143, %dma_start3A_164] : memref<250x80xi32, #tpu.memory_space<vmem>> -> memref<1x80xi32, #tpu.memory_space<vmem>>
      %dma_start3A_166 = tpu.memref_squeeze %dma_start3A_165 : memref<1x80xi32, #tpu.memory_space<vmem>> -> memref<80xi32, #tpu.memory_space<vmem>>
      %dma_start3A_167 = arith.constant 0 : i32
      %dma_start3A_168 = arith.constant 0 : i32
      %dma_start3A_169 = tpu.memref_slice %arg10[%dma_start3A_167, %dma_start3A_168] : memref<10000x64xf32, #tpu.memory_space<vmem_shared>> -> memref<10000x64xf32, #tpu.memory_space<vmem_shared>>
      tpu.enqueue_indirect_dma source(%dma_start3A_163 : memref<80x64xf32, #tpu.memory_space<vmem>>) target(%dma_start3A_169 : memref<10000x64xf32, #tpu.memory_space<vmem_shared>>) offsets(%dma_start3A_166 : memref<80xi32, #tpu.memory_space<vmem>>) semaphore(%arg17 : memref<!tpu.dma_semaphore, #tpu.memory_space<semaphore_mem>>) {add = true}
      %dma_wait3A_170 = arith.constant 1 : i32
      %dma_wait3A_171 = arith.constant 0 : i32
      %dma_wait3A_172 = arith.constant 0 : i32
      %dma_wait3A_173 = tpu.memref_slice %arg9[%dma_wait3A_170, %dma_wait3A_171, %dma_wait3A_172] : memref<5x80x64xf32, #tpu.memory_space<vmem>> -> memref<1x80x64xf32, #tpu.memory_space<vmem>>
      %dma_wait3A_174 = tpu.memref_squeeze %dma_wait3A_173 : memref<1x80x64xf32, #tpu.memory_space<vmem>> -> memref<80x64xf32, #tpu.memory_space<vmem>>
      %dma_wait3A_175 = arith.constant 0 : i32
      %dma_wait3A_176 = tpu.memref_slice %arg8[%add3A_143, %dma_wait3A_175] : memref<250x80xi32, #tpu.memory_space<vmem>> -> memref<1x80xi32, #tpu.memory_space<vmem>>
      %dma_wait3A_177 = tpu.memref_squeeze %dma_wait3A_176 : memref<1x80xi32, #tpu.memory_space<vmem>> -> memref<80xi32, #tpu.memory_space<vmem>>
      %dma_wait3A_178 = arith.constant 0 : i32
      %dma_wait3A_179 = arith.constant 0 : i32
      %dma_wait3A_180 = tpu.memref_slice %arg10[%dma_wait3A_178, %dma_wait3A_179] : memref<10000x64xf32, #tpu.memory_space<vmem_shared>> -> memref<10000x64xf32, #tpu.memory_space<vmem_shared>>
      tpu.wait_indirect_dma semaphore(%arg17 : memref<!tpu.dma_semaphore, #tpu.memory_space<semaphore_mem>>) src(%dma_wait3A_174 : memref<80x64xf32, #tpu.memory_space<vmem>>) dst(%dma_wait3A_180 : memref<10000x64xf32, #tpu.memory_space<vmem_shared>>)
      %add3A_181 = arith.constant 5 : i32
      %add3A_182 = arith.addi %add3A_143, %add3A_181 : i32
      %lt3A_183 = arith.constant 250 : i32
      %lt3A_184 = arith.cmpi slt, %add3A_182, %lt3A_183 : i32
      %convert_element_type3A_185 = arith.extui %lt3A_184 : i1 to i32
      %cond3A_186 = arith.constant 0 : i32
      %cond3A_187 = arith.cmpi ne, %convert_element_type3A_185, %cond3A_186 : i32
      scf.if %cond3A_187 {
        %add3A_333 = arith.constant 5 : i32
        %add3A_334 = arith.addi %add3A_143, %add3A_333 : i32
        %dma_start3A_335 = arith.constant 1 : i32
        %dma_start3A_336 = arith.constant 0 : i32
        %dma_start3A_337 = arith.constant 0 : i32
        %dma_start3A_338 = tpu.memref_slice %arg9[%dma_start3A_335, %dma_start3A_336, %dma_start3A_337] : memref<5x80x64xf32, #tpu.memory_space<vmem>> -> memref<1x80x64xf32, #tpu.memory_space<vmem>>
        %dma_start3A_339 = tpu.memref_squeeze %dma_start3A_338 : memref<1x80x64xf32, #tpu.memory_space<vmem>> -> memref<80x64xf32, #tpu.memory_space<vmem>>
        %dma_start3A_340 = arith.constant 0 : i32
        %dma_start3A_341 = tpu.memref_slice %arg7[%add3A_334, %dma_start3A_340] : memref<250x80xi32, #tpu.memory_space<vmem>> -> memref<1x80xi32, #tpu.memory_space<vmem>>
        %dma_start3A_342 = tpu.memref_squeeze %dma_start3A_341 : memref<1x80xi32, #tpu.memory_space<vmem>> -> memref<80xi32, #tpu.memory_space<vmem>>
        %dma_start3A_343 = arith.constant 0 : i32
        %dma_start3A_344 = arith.constant 0 : i32
        %dma_start3A_345 = tpu.memref_slice %arg2[%arg0, %dma_start3A_343, %dma_start3A_344] : memref<2x10000x64xf32, #tpu.memory_space<hbm>> -> memref<1x10000x64xf32, #tpu.memory_space<hbm>>
        %dma_start3A_346 = tpu.memref_squeeze %dma_start3A_345 : memref<1x10000x64xf32, #tpu.memory_space<hbm>> -> memref<10000x64xf32, #tpu.memory_space<hbm>>
        %dma_start3A_347 = arith.constant 0 : i32
        %dma_start3A_348 = arith.constant 0 : i32
        %dma_start3A_349 = tpu.memref_slice %dma_start3A_346[%dma_start3A_347, %dma_start3A_348] : memref<10000x64xf32, #tpu.memory_space<hbm>> -> memref<10000x64xf32, #tpu.memory_space<hbm>>
        tpu.enqueue_indirect_dma source(%dma_start3A_349 : memref<10000x64xf32, #tpu.memory_space<hbm>>) target(%dma_start3A_339 : memref<80x64xf32, #tpu.memory_space<vmem>>) offsets(%dma_start3A_342 : memref<80xi32, #tpu.memory_space<vmem>>) semaphore(%arg12 : memref<!tpu.dma_semaphore, #tpu.memory_space<semaphore_mem>>)
      } else {
      }
      %mul3A_188 = arith.constant 5 : i32
      %mul3A_189 = arith.muli %mul3A_188, %scan3A_93 : i32
      %add3A_190 = arith.constant 2 : i32
      %add3A_191 = arith.addi %mul3A_189, %add3A_190 : i32
      %dma_wait3A_192 = arith.constant 2 : i32
      %dma_wait3A_193 = arith.constant 0 : i32
      %dma_wait3A_194 = arith.constant 0 : i32
      %dma_wait3A_195 = tpu.memref_slice %arg9[%dma_wait3A_192, %dma_wait3A_193, %dma_wait3A_194] : memref<5x80x64xf32, #tpu.memory_space<vmem>> -> memref<1x80x64xf32, #tpu.memory_space<vmem>>
      %dma_wait3A_196 = tpu.memref_squeeze %dma_wait3A_195 : memref<1x80x64xf32, #tpu.memory_space<vmem>> -> memref<80x64xf32, #tpu.memory_space<vmem>>
      %dma_wait3A_197 = arith.constant 0 : i32
      %dma_wait3A_198 = tpu.memref_slice %arg7[%add3A_191, %dma_wait3A_197] : memref<250x80xi32, #tpu.memory_space<vmem>> -> memref<1x80xi32, #tpu.memory_space<vmem>>
      %dma_wait3A_199 = tpu.memref_squeeze %dma_wait3A_198 : memref<1x80xi32, #tpu.memory_space<vmem>> -> memref<80xi32, #tpu.memory_space<vmem>>
      %dma_wait3A_200 = arith.constant 0 : i32
      %dma_wait3A_201 = arith.constant 0 : i32
      %dma_wait3A_202 = tpu.memref_slice %arg2[%arg0, %dma_wait3A_200, %dma_wait3A_201] : memref<2x10000x64xf32, #tpu.memory_space<hbm>> -> memref<1x10000x64xf32, #tpu.memory_space<hbm>>
      %dma_wait3A_203 = tpu.memref_squeeze %dma_wait3A_202 : memref<1x10000x64xf32, #tpu.memory_space<hbm>> -> memref<10000x64xf32, #tpu.memory_space<hbm>>
      %dma_wait3A_204 = arith.constant 0 : i32
      %dma_wait3A_205 = arith.constant 0 : i32
      %dma_wait3A_206 = tpu.memref_slice %dma_wait3A_203[%dma_wait3A_204, %dma_wait3A_205] : memref<10000x64xf32, #tpu.memory_space<hbm>> -> memref<10000x64xf32, #tpu.memory_space<hbm>>
      tpu.wait_indirect_dma semaphore(%arg13 : memref<!tpu.dma_semaphore, #tpu.memory_space<semaphore_mem>>) src(%dma_wait3A_206 : memref<10000x64xf32, #tpu.memory_space<hbm>>) dst(%dma_wait3A_196 : memref<80x64xf32, #tpu.memory_space<vmem>>)
      %dma_start3A_207 = arith.constant 2 : i32
      %dma_start3A_208 = arith.constant 0 : i32
      %dma_start3A_209 = arith.constant 0 : i32
      %dma_start3A_210 = tpu.memref_slice %arg9[%dma_start3A_207, %dma_start3A_208, %dma_start3A_209] : memref<5x80x64xf32, #tpu.memory_space<vmem>> -> memref<1x80x64xf32, #tpu.memory_space<vmem>>
      %dma_start3A_211 = tpu.memref_squeeze %dma_start3A_210 : memref<1x80x64xf32, #tpu.memory_space<vmem>> -> memref<80x64xf32, #tpu.memory_space<vmem>>
      %dma_start3A_212 = arith.constant 0 : i32
      %dma_start3A_213 = tpu.memref_slice %arg8[%add3A_191, %dma_start3A_212] : memref<250x80xi32, #tpu.memory_space<vmem>> -> memref<1x80xi32, #tpu.memory_space<vmem>>
      %dma_start3A_214 = tpu.memref_squeeze %dma_start3A_213 : memref<1x80xi32, #tpu.memory_space<vmem>> -> memref<80xi32, #tpu.memory_space<vmem>>
      %dma_start3A_215 = arith.constant 0 : i32
      %dma_start3A_216 = arith.constant 0 : i32
      %dma_start3A_217 = tpu.memref_slice %arg10[%dma_start3A_215, %dma_start3A_216] : memref<10000x64xf32, #tpu.memory_space<vmem_shared>> -> memref<10000x64xf32, #tpu.memory_space<vmem_shared>>
      tpu.enqueue_indirect_dma source(%dma_start3A_211 : memref<80x64xf32, #tpu.memory_space<vmem>>) target(%dma_start3A_217 : memref<10000x64xf32, #tpu.memory_space<vmem_shared>>) offsets(%dma_start3A_214 : memref<80xi32, #tpu.memory_space<vmem>>) semaphore(%arg18 : memref<!tpu.dma_semaphore, #tpu.memory_space<semaphore_mem>>) {add = true}
      %dma_wait3A_218 = arith.constant 2 : i32
      %dma_wait3A_219 = arith.constant 0 : i32
      %dma_wait3A_220 = arith.constant 0 : i32
      %dma_wait3A_221 = tpu.memref_slice %arg9[%dma_wait3A_218, %dma_wait3A_219, %dma_wait3A_220] : memref<5x80x64xf32, #tpu.memory_space<vmem>> -> memref<1x80x64xf32, #tpu.memory_space<vmem>>
      %dma_wait3A_222 = tpu.memref_squeeze %dma_wait3A_221 : memref<1x80x64xf32, #tpu.memory_space<vmem>> -> memref<80x64xf32, #tpu.memory_space<vmem>>
      %dma_wait3A_223 = arith.constant 0 : i32
      %dma_wait3A_224 = tpu.memref_slice %arg8[%add3A_191, %dma_wait3A_223] : memref<250x80xi32, #tpu.memory_space<vmem>> -> memref<1x80xi32, #tpu.memory_space<vmem>>
      %dma_wait3A_225 = tpu.memref_squeeze %dma_wait3A_224 : memref<1x80xi32, #tpu.memory_space<vmem>> -> memref<80xi32, #tpu.memory_space<vmem>>
      %dma_wait3A_226 = arith.constant 0 : i32
      %dma_wait3A_227 = arith.constant 0 : i32
      %dma_wait3A_228 = tpu.memref_slice %arg10[%dma_wait3A_226, %dma_wait3A_227] : memref<10000x64xf32, #tpu.memory_space<vmem_shared>> -> memref<10000x64xf32, #tpu.memory_space<vmem_shared>>
      tpu.wait_indirect_dma semaphore(%arg18 : memref<!tpu.dma_semaphore, #tpu.memory_space<semaphore_mem>>) src(%dma_wait3A_222 : memref<80x64xf32, #tpu.memory_space<vmem>>) dst(%dma_wait3A_228 : memref<10000x64xf32, #tpu.memory_space<vmem_shared>>)
      %add3A_229 = arith.constant 5 : i32
      %add3A_230 = arith.addi %add3A_191, %add3A_229 : i32
      %lt3A_231 = arith.constant 250 : i32
      %lt3A_232 = arith.cmpi slt, %add3A_230, %lt3A_231 : i32
      %convert_element_type3A_233 = arith.extui %lt3A_232 : i1 to i32
      %cond3A_234 = arith.constant 0 : i32
      %cond3A_235 = arith.cmpi ne, %convert_element_type3A_233, %cond3A_234 : i32
      scf.if %cond3A_235 {
        %add3A_333 = arith.constant 5 : i32
        %add3A_334 = arith.addi %add3A_191, %add3A_333 : i32
        %dma_start3A_335 = arith.constant 2 : i32
        %dma_start3A_336 = arith.constant 0 : i32
        %dma_start3A_337 = arith.constant 0 : i32
        %dma_start3A_338 = tpu.memref_slice %arg9[%dma_start3A_335, %dma_start3A_336, %dma_start3A_337] : memref<5x80x64xf32, #tpu.memory_space<vmem>> -> memref<1x80x64xf32, #tpu.memory_space<vmem>>
        %dma_start3A_339 = tpu.memref_squeeze %dma_start3A_338 : memref<1x80x64xf32, #tpu.memory_space<vmem>> -> memref<80x64xf32, #tpu.memory_space<vmem>>
        %dma_start3A_340 = arith.constant 0 : i32
        %dma_start3A_341 = tpu.memref_slice %arg7[%add3A_334, %dma_start3A_340] : memref<250x80xi32, #tpu.memory_space<vmem>> -> memref<1x80xi32, #tpu.memory_space<vmem>>
        %dma_start3A_342 = tpu.memref_squeeze %dma_start3A_341 : memref<1x80xi32, #tpu.memory_space<vmem>> -> memref<80xi32, #tpu.memory_space<vmem>>
        %dma_start3A_343 = arith.constant 0 : i32
        %dma_start3A_344 = arith.constant 0 : i32
        %dma_start3A_345 = tpu.memref_slice %arg2[%arg0, %dma_start3A_343, %dma_start3A_344] : memref<2x10000x64xf32, #tpu.memory_space<hbm>> -> memref<1x10000x64xf32, #tpu.memory_space<hbm>>
        %dma_start3A_346 = tpu.memref_squeeze %dma_start3A_345 : memref<1x10000x64xf32, #tpu.memory_space<hbm>> -> memref<10000x64xf32, #tpu.memory_space<hbm>>
        %dma_start3A_347 = arith.constant 0 : i32
        %dma_start3A_348 = arith.constant 0 : i32
        %dma_start3A_349 = tpu.memref_slice %dma_start3A_346[%dma_start3A_347, %dma_start3A_348] : memref<10000x64xf32, #tpu.memory_space<hbm>> -> memref<10000x64xf32, #tpu.memory_space<hbm>>
        tpu.enqueue_indirect_dma source(%dma_start3A_349 : memref<10000x64xf32, #tpu.memory_space<hbm>>) target(%dma_start3A_339 : memref<80x64xf32, #tpu.memory_space<vmem>>) offsets(%dma_start3A_342 : memref<80xi32, #tpu.memory_space<vmem>>) semaphore(%arg13 : memref<!tpu.dma_semaphore, #tpu.memory_space<semaphore_mem>>)
      } else {
      }
      %mul3A_236 = arith.constant 5 : i32
      %mul3A_237 = arith.muli %mul3A_236, %scan3A_93 : i32
      %add3A_238 = arith.constant 3 : i32
      %add3A_239 = arith.addi %mul3A_237, %add3A_238 : i32
      %dma_wait3A_240 = arith.constant 3 : i32
      %dma_wait3A_241 = arith.constant 0 : i32
      %dma_wait3A_242 = arith.constant 0 : i32
      %dma_wait3A_243 = tpu.memref_slice %arg9[%dma_wait3A_240, %dma_wait3A_241, %dma_wait3A_242] : memref<5x80x64xf32, #tpu.memory_space<vmem>> -> memref<1x80x64xf32, #tpu.memory_space<vmem>>
      %dma_wait3A_244 = tpu.memref_squeeze %dma_wait3A_243 : memref<1x80x64xf32, #tpu.memory_space<vmem>> -> memref<80x64xf32, #tpu.memory_space<vmem>>
      %dma_wait3A_245 = arith.constant 0 : i32
      %dma_wait3A_246 = tpu.memref_slice %arg7[%add3A_239, %dma_wait3A_245] : memref<250x80xi32, #tpu.memory_space<vmem>> -> memref<1x80xi32, #tpu.memory_space<vmem>>
      %dma_wait3A_247 = tpu.memref_squeeze %dma_wait3A_246 : memref<1x80xi32, #tpu.memory_space<vmem>> -> memref<80xi32, #tpu.memory_space<vmem>>
      %dma_wait3A_248 = arith.constant 0 : i32
      %dma_wait3A_249 = arith.constant 0 : i32
      %dma_wait3A_250 = tpu.memref_slice %arg2[%arg0, %dma_wait3A_248, %dma_wait3A_249] : memref<2x10000x64xf32, #tpu.memory_space<hbm>> -> memref<1x10000x64xf32, #tpu.memory_space<hbm>>
      %dma_wait3A_251 = tpu.memref_squeeze %dma_wait3A_250 : memref<1x10000x64xf32, #tpu.memory_space<hbm>> -> memref<10000x64xf32, #tpu.memory_space<hbm>>
      %dma_wait3A_252 = arith.constant 0 : i32
      %dma_wait3A_253 = arith.constant 0 : i32
      %dma_wait3A_254 = tpu.memref_slice %dma_wait3A_251[%dma_wait3A_252, %dma_wait3A_253] : memref<10000x64xf32, #tpu.memory_space<hbm>> -> memref<10000x64xf32, #tpu.memory_space<hbm>>
      tpu.wait_indirect_dma semaphore(%arg14 : memref<!tpu.dma_semaphore, #tpu.memory_space<semaphore_mem>>) src(%dma_wait3A_254 : memref<10000x64xf32, #tpu.memory_space<hbm>>) dst(%dma_wait3A_244 : memref<80x64xf32, #tpu.memory_space<vmem>>)
      %dma_start3A_255 = arith.constant 3 : i32
      %dma_start3A_256 = arith.constant 0 : i32
      %dma_start3A_257 = arith.constant 0 : i32
      %dma_start3A_258 = tpu.memref_slice %arg9[%dma_start3A_255, %dma_start3A_256, %dma_start3A_257] : memref<5x80x64xf32, #tpu.memory_space<vmem>> -> memref<1x80x64xf32, #tpu.memory_space<vmem>>
      %dma_start3A_259 = tpu.memref_squeeze %dma_start3A_258 : memref<1x80x64xf32, #tpu.memory_space<vmem>> -> memref<80x64xf32, #tpu.memory_space<vmem>>
      %dma_start3A_260 = arith.constant 0 : i32
      %dma_start3A_261 = tpu.memref_slice %arg8[%add3A_239, %dma_start3A_260] : memref<250x80xi32, #tpu.memory_space<vmem>> -> memref<1x80xi32, #tpu.memory_space<vmem>>
      %dma_start3A_262 = tpu.memref_squeeze %dma_start3A_261 : memref<1x80xi32, #tpu.memory_space<vmem>> -> memref<80xi32, #tpu.memory_space<vmem>>
      %dma_start3A_263 = arith.constant 0 : i32
      %dma_start3A_264 = arith.constant 0 : i32
      %dma_start3A_265 = tpu.memref_slice %arg10[%dma_start3A_263, %dma_start3A_264] : memref<10000x64xf32, #tpu.memory_space<vmem_shared>> -> memref<10000x64xf32, #tpu.memory_space<vmem_shared>>
      tpu.enqueue_indirect_dma source(%dma_start3A_259 : memref<80x64xf32, #tpu.memory_space<vmem>>) target(%dma_start3A_265 : memref<10000x64xf32, #tpu.memory_space<vmem_shared>>) offsets(%dma_start3A_262 : memref<80xi32, #tpu.memory_space<vmem>>) semaphore(%arg19 : memref<!tpu.dma_semaphore, #tpu.memory_space<semaphore_mem>>) {add = true}
      %dma_wait3A_266 = arith.constant 3 : i32
      %dma_wait3A_267 = arith.constant 0 : i32
      %dma_wait3A_268 = arith.constant 0 : i32
      %dma_wait3A_269 = tpu.memref_slice %arg9[%dma_wait3A_266, %dma_wait3A_267, %dma_wait3A_268] : memref<5x80x64xf32, #tpu.memory_space<vmem>> -> memref<1x80x64xf32, #tpu.memory_space<vmem>>
      %dma_wait3A_270 = tpu.memref_squeeze %dma_wait3A_269 : memref<1x80x64xf32, #tpu.memory_space<vmem>> -> memref<80x64xf32, #tpu.memory_space<vmem>>
      %dma_wait3A_271 = arith.constant 0 : i32
      %dma_wait3A_272 = tpu.memref_slice %arg8[%add3A_239, %dma_wait3A_271] : memref<250x80xi32, #tpu.memory_space<vmem>> -> memref<1x80xi32, #tpu.memory_space<vmem>>
      %dma_wait3A_273 = tpu.memref_squeeze %dma_wait3A_272 : memref<1x80xi32, #tpu.memory_space<vmem>> -> memref<80xi32, #tpu.memory_space<vmem>>
      %dma_wait3A_274 = arith.constant 0 : i32
      %dma_wait3A_275 = arith.constant 0 : i32
      %dma_wait3A_276 = tpu.memref_slice %arg10[%dma_wait3A_274, %dma_wait3A_275] : memref<10000x64xf32, #tpu.memory_space<vmem_shared>> -> memref<10000x64xf32, #tpu.memory_space<vmem_shared>>
      tpu.wait_indirect_dma semaphore(%arg19 : memref<!tpu.dma_semaphore, #tpu.memory_space<semaphore_mem>>) src(%dma_wait3A_270 : memref<80x64xf32, #tpu.memory_space<vmem>>) dst(%dma_wait3A_276 : memref<10000x64xf32, #tpu.memory_space<vmem_shared>>)
      %add3A_277 = arith.constant 5 : i32
      %add3A_278 = arith.addi %add3A_239, %add3A_277 : i32
      %lt3A_279 = arith.constant 250 : i32
      %lt3A_280 = arith.cmpi slt, %add3A_278, %lt3A_279 : i32
      %convert_element_type3A_281 = arith.extui %lt3A_280 : i1 to i32
      %cond3A_282 = arith.constant 0 : i32
      %cond3A_283 = arith.cmpi ne, %convert_element_type3A_281, %cond3A_282 : i32
      scf.if %cond3A_283 {
        %add3A_333 = arith.constant 5 : i32
        %add3A_334 = arith.addi %add3A_239, %add3A_333 : i32
        %dma_start3A_335 = arith.constant 3 : i32
        %dma_start3A_336 = arith.constant 0 : i32
        %dma_start3A_337 = arith.constant 0 : i32
        %dma_start3A_338 = tpu.memref_slice %arg9[%dma_start3A_335, %dma_start3A_336, %dma_start3A_337] : memref<5x80x64xf32, #tpu.memory_space<vmem>> -> memref<1x80x64xf32, #tpu.memory_space<vmem>>
        %dma_start3A_339 = tpu.memref_squeeze %dma_start3A_338 : memref<1x80x64xf32, #tpu.memory_space<vmem>> -> memref<80x64xf32, #tpu.memory_space<vmem>>
        %dma_start3A_340 = arith.constant 0 : i32
        %dma_start3A_341 = tpu.memref_slice %arg7[%add3A_334, %dma_start3A_340] : memref<250x80xi32, #tpu.memory_space<vmem>> -> memref<1x80xi32, #tpu.memory_space<vmem>>
        %dma_start3A_342 = tpu.memref_squeeze %dma_start3A_341 : memref<1x80xi32, #tpu.memory_space<vmem>> -> memref<80xi32, #tpu.memory_space<vmem>>
        %dma_start3A_343 = arith.constant 0 : i32
        %dma_start3A_344 = arith.constant 0 : i32
        %dma_start3A_345 = tpu.memref_slice %arg2[%arg0, %dma_start3A_343, %dma_start3A_344] : memref<2x10000x64xf32, #tpu.memory_space<hbm>> -> memref<1x10000x64xf32, #tpu.memory_space<hbm>>
        %dma_start3A_346 = tpu.memref_squeeze %dma_start3A_345 : memref<1x10000x64xf32, #tpu.memory_space<hbm>> -> memref<10000x64xf32, #tpu.memory_space<hbm>>
        %dma_start3A_347 = arith.constant 0 : i32
        %dma_start3A_348 = arith.constant 0 : i32
        %dma_start3A_349 = tpu.memref_slice %dma_start3A_346[%dma_start3A_347, %dma_start3A_348] : memref<10000x64xf32, #tpu.memory_space<hbm>> -> memref<10000x64xf32, #tpu.memory_space<hbm>>
        tpu.enqueue_indirect_dma source(%dma_start3A_349 : memref<10000x64xf32, #tpu.memory_space<hbm>>) target(%dma_start3A_339 : memref<80x64xf32, #tpu.memory_space<vmem>>) offsets(%dma_start3A_342 : memref<80xi32, #tpu.memory_space<vmem>>) semaphore(%arg14 : memref<!tpu.dma_semaphore, #tpu.memory_space<semaphore_mem>>)
      } else {
      }
      %mul3A_284 = arith.constant 5 : i32
      %mul3A_285 = arith.muli %mul3A_284, %scan3A_93 : i32
      %add3A_286 = arith.constant 4 : i32
      %add3A_287 = arith.addi %mul3A_285, %add3A_286 : i32
      %dma_wait3A_288 = arith.constant 4 : i32
      %dma_wait3A_289 = arith.constant 0 : i32
      %dma_wait3A_290 = arith.constant 0 : i32
      %dma_wait3A_291 = tpu.memref_slice %arg9[%dma_wait3A_288, %dma_wait3A_289, %dma_wait3A_290] : memref<5x80x64xf32, #tpu.memory_space<vmem>> -> memref<1x80x64xf32, #tpu.memory_space<vmem>>
      %dma_wait3A_292 = tpu.memref_squeeze %dma_wait3A_291 : memref<1x80x64xf32, #tpu.memory_space<vmem>> -> memref<80x64xf32, #tpu.memory_space<vmem>>
      %dma_wait3A_293 = arith.constant 0 : i32
      %dma_wait3A_294 = tpu.memref_slice %arg7[%add3A_287, %dma_wait3A_293] : memref<250x80xi32, #tpu.memory_space<vmem>> -> memref<1x80xi32, #tpu.memory_space<vmem>>
      %dma_wait3A_295 = tpu.memref_squeeze %dma_wait3A_294 : memref<1x80xi32, #tpu.memory_space<vmem>> -> memref<80xi32, #tpu.memory_space<vmem>>
      %dma_wait3A_296 = arith.constant 0 : i32
      %dma_wait3A_297 = arith.constant 0 : i32
      %dma_wait3A_298 = tpu.memref_slice %arg2[%arg0, %dma_wait3A_296, %dma_wait3A_297] : memref<2x10000x64xf32, #tpu.memory_space<hbm>> -> memref<1x10000x64xf32, #tpu.memory_space<hbm>>
      %dma_wait3A_299 = tpu.memref_squeeze %dma_wait3A_298 : memref<1x10000x64xf32, #tpu.memory_space<hbm>> -> memref<10000x64xf32, #tpu.memory_space<hbm>>
      %dma_wait3A_300 = arith.constant 0 : i32
      %dma_wait3A_301 = arith.constant 0 : i32
      %dma_wait3A_302 = tpu.memref_slice %dma_wait3A_299[%dma_wait3A_300, %dma_wait3A_301] : memref<10000x64xf32, #tpu.memory_space<hbm>> -> memref<10000x64xf32, #tpu.memory_space<hbm>>
      tpu.wait_indirect_dma semaphore(%arg15 : memref<!tpu.dma_semaphore, #tpu.memory_space<semaphore_mem>>) src(%dma_wait3A_302 : memref<10000x64xf32, #tpu.memory_space<hbm>>) dst(%dma_wait3A_292 : memref<80x64xf32, #tpu.memory_space<vmem>>)
      %dma_start3A_303 = arith.constant 4 : i32
      %dma_start3A_304 = arith.constant 0 : i32
      %dma_start3A_305 = arith.constant 0 : i32
      %dma_start3A_306 = tpu.memref_slice %arg9[%dma_start3A_303, %dma_start3A_304, %dma_start3A_305] : memref<5x80x64xf32, #tpu.memory_space<vmem>> -> memref<1x80x64xf32, #tpu.memory_space<vmem>>
      %dma_start3A_307 = tpu.memref_squeeze %dma_start3A_306 : memref<1x80x64xf32, #tpu.memory_space<vmem>> -> memref<80x64xf32, #tpu.memory_space<vmem>>
      %dma_start3A_308 = arith.constant 0 : i32
      %dma_start3A_309 = tpu.memref_slice %arg8[%add3A_287, %dma_start3A_308] : memref<250x80xi32, #tpu.memory_space<vmem>> -> memref<1x80xi32, #tpu.memory_space<vmem>>
      %dma_start3A_310 = tpu.memref_squeeze %dma_start3A_309 : memref<1x80xi32, #tpu.memory_space<vmem>> -> memref<80xi32, #tpu.memory_space<vmem>>
      %dma_start3A_311 = arith.constant 0 : i32
      %dma_start3A_312 = arith.constant 0 : i32
      %dma_start3A_313 = tpu.memref_slice %arg10[%dma_start3A_311, %dma_start3A_312] : memref<10000x64xf32, #tpu.memory_space<vmem_shared>> -> memref<10000x64xf32, #tpu.memory_space<vmem_shared>>
      tpu.enqueue_indirect_dma source(%dma_start3A_307 : memref<80x64xf32, #tpu.memory_space<vmem>>) target(%dma_start3A_313 : memref<10000x64xf32, #tpu.memory_space<vmem_shared>>) offsets(%dma_start3A_310 : memref<80xi32, #tpu.memory_space<vmem>>) semaphore(%arg20 : memref<!tpu.dma_semaphore, #tpu.memory_space<semaphore_mem>>) {add = true}
      %dma_wait3A_314 = arith.constant 4 : i32
      %dma_wait3A_315 = arith.constant 0 : i32
      %dma_wait3A_316 = arith.constant 0 : i32
      %dma_wait3A_317 = tpu.memref_slice %arg9[%dma_wait3A_314, %dma_wait3A_315, %dma_wait3A_316] : memref<5x80x64xf32, #tpu.memory_space<vmem>> -> memref<1x80x64xf32, #tpu.memory_space<vmem>>
      %dma_wait3A_318 = tpu.memref_squeeze %dma_wait3A_317 : memref<1x80x64xf32, #tpu.memory_space<vmem>> -> memref<80x64xf32, #tpu.memory_space<vmem>>
      %dma_wait3A_319 = arith.constant 0 : i32
      %dma_wait3A_320 = tpu.memref_slice %arg8[%add3A_287, %dma_wait3A_319] : memref<250x80xi32, #tpu.memory_space<vmem>> -> memref<1x80xi32, #tpu.memory_space<vmem>>
      %dma_wait3A_321 = tpu.memref_squeeze %dma_wait3A_320 : memref<1x80xi32, #tpu.memory_space<vmem>> -> memref<80xi32, #tpu.memory_space<vmem>>
      %dma_wait3A_322 = arith.constant 0 : i32
      %dma_wait3A_323 = arith.constant 0 : i32
      %dma_wait3A_324 = tpu.memref_slice %arg10[%dma_wait3A_322, %dma_wait3A_323] : memref<10000x64xf32, #tpu.memory_space<vmem_shared>> -> memref<10000x64xf32, #tpu.memory_space<vmem_shared>>
      tpu.wait_indirect_dma semaphore(%arg20 : memref<!tpu.dma_semaphore, #tpu.memory_space<semaphore_mem>>) src(%dma_wait3A_318 : memref<80x64xf32, #tpu.memory_space<vmem>>) dst(%dma_wait3A_324 : memref<10000x64xf32, #tpu.memory_space<vmem_shared>>)
      %add3A_325 = arith.constant 5 : i32
      %add3A_326 = arith.addi %add3A_287, %add3A_325 : i32
      %lt3A_327 = arith.constant 250 : i32
      %lt3A_328 = arith.cmpi slt, %add3A_326, %lt3A_327 : i32
      %convert_element_type3A_329 = arith.extui %lt3A_328 : i1 to i32
      %cond3A_330 = arith.constant 0 : i32
      %cond3A_331 = arith.cmpi ne, %convert_element_type3A_329, %cond3A_330 : i32
      scf.if %cond3A_331 {
        %add3A_333 = arith.constant 5 : i32
        %add3A_334 = arith.addi %add3A_287, %add3A_333 : i32
        %dma_start3A_335 = arith.constant 4 : i32
        %dma_start3A_336 = arith.constant 0 : i32
        %dma_start3A_337 = arith.constant 0 : i32
        %dma_start3A_338 = tpu.memref_slice %arg9[%dma_start3A_335, %dma_start3A_336, %dma_start3A_337] : memref<5x80x64xf32, #tpu.memory_space<vmem>> -> memref<1x80x64xf32, #tpu.memory_space<vmem>>
        %dma_start3A_339 = tpu.memref_squeeze %dma_start3A_338 : memref<1x80x64xf32, #tpu.memory_space<vmem>> -> memref<80x64xf32, #tpu.memory_space<vmem>>
        %dma_start3A_340 = arith.constant 0 : i32
        %dma_start3A_341 = tpu.memref_slice %arg7[%add3A_334, %dma_start3A_340] : memref<250x80xi32, #tpu.memory_space<vmem>> -> memref<1x80xi32, #tpu.memory_space<vmem>>
        %dma_start3A_342 = tpu.memref_squeeze %dma_start3A_341 : memref<1x80xi32, #tpu.memory_space<vmem>> -> memref<80xi32, #tpu.memory_space<vmem>>
        %dma_start3A_343 = arith.constant 0 : i32
        %dma_start3A_344 = arith.constant 0 : i32
        %dma_start3A_345 = tpu.memref_slice %arg2[%arg0, %dma_start3A_343, %dma_start3A_344] : memref<2x10000x64xf32, #tpu.memory_space<hbm>> -> memref<1x10000x64xf32, #tpu.memory_space<hbm>>
        %dma_start3A_346 = tpu.memref_squeeze %dma_start3A_345 : memref<1x10000x64xf32, #tpu.memory_space<hbm>> -> memref<10000x64xf32, #tpu.memory_space<hbm>>
        %dma_start3A_347 = arith.constant 0 : i32
        %dma_start3A_348 = arith.constant 0 : i32
        %dma_start3A_349 = tpu.memref_slice %dma_start3A_346[%dma_start3A_347, %dma_start3A_348] : memref<10000x64xf32, #tpu.memory_space<hbm>> -> memref<10000x64xf32, #tpu.memory_space<hbm>>
        tpu.enqueue_indirect_dma source(%dma_start3A_349 : memref<10000x64xf32, #tpu.memory_space<hbm>>) target(%dma_start3A_339 : memref<80x64xf32, #tpu.memory_space<vmem>>) offsets(%dma_start3A_342 : memref<80xi32, #tpu.memory_space<vmem>>) semaphore(%arg15 : memref<!tpu.dma_semaphore, #tpu.memory_space<semaphore_mem>>)
      } else {
      }
      %scan3A_332 = arith.constant 0 : i32
      scf.yield %scan3A_332 : i32
    }
    %scan3A_85 = arith.constant 50 : i32
    %barrier3A_86 = arith.constant 0 : index
    tpu.barrier barrier_id(%barrier3A_86)
    %mul3A_87 = arith.constant 624 : i32
    %mul3A_88 = arith.muli %arg1, %mul3A_87 : i32
    %mul3A_89 = arith.constant 624 : i32
    %mul3A_90 = arith.muli %arg1, %mul3A_89 : i32
    "tpu.region"() ({
      %run_scoped3A = tpu.sem_alloc : memref<!tpu.dma_semaphore, #tpu.memory_space<semaphore_mem>>
      %dma_start3A_93 = arith.constant 0 : i32
      %dma_start3A_94 = tpu.memref_slice %arg6[%arg0, %mul3A_90, %dma_start3A_93] : memref<2x10000x64xf32, #tpu.memory_space<hbm>> -> memref<1x624x64xf32, #tpu.memory_space<hbm>>
      %dma_start3A_95 = tpu.memref_squeeze %dma_start3A_94 : memref<1x624x64xf32, #tpu.memory_space<hbm>> -> memref<624x64xf32, #tpu.memory_space<hbm>>
      %dma_start3A_96 = arith.constant 0 : i32
      %dma_start3A_97 = tpu.memref_slice %arg10[%mul3A_88, %dma_start3A_96] : memref<10000x64xf32, #tpu.memory_space<vmem_shared>> -> memref<624x64xf32, #tpu.memory_space<vmem_shared>>
      tpu.enqueue_dma source(%dma_start3A_97 : memref<624x64xf32, #tpu.memory_space<vmem_shared>>) target(%dma_start3A_95 : memref<624x64xf32, #tpu.memory_space<hbm>>) target_semaphore(%run_scoped3A : memref<!tpu.dma_semaphore, #tpu.memory_space<semaphore_mem>>)
      %dma_wait3A = arith.constant 0 : i32
      %dma_wait3A_98 = tpu.memref_slice %arg6[%arg0, %mul3A_90, %dma_wait3A] : memref<2x10000x64xf32, #tpu.memory_space<hbm>> -> memref<1x624x64xf32, #tpu.memory_space<hbm>>
      %dma_wait3A_99 = tpu.memref_squeeze %dma_wait3A_98 : memref<1x624x64xf32, #tpu.memory_space<hbm>> -> memref<624x64xf32, #tpu.memory_space<hbm>>
      %dma_wait3A_100 = arith.constant 0 : i32
      %dma_wait3A_101 = tpu.memref_slice %arg10[%mul3A_88, %dma_wait3A_100] : memref<10000x64xf32, #tpu.memory_space<vmem_shared>> -> memref<624x64xf32, #tpu.memory_space<vmem_shared>>
      tpu.wait_dma2 semaphore(%run_scoped3A : memref<!tpu.dma_semaphore, #tpu.memory_space<semaphore_mem>>) src(%dma_wait3A_101 : memref<624x64xf32, #tpu.memory_space<vmem_shared>>) dst(%dma_wait3A_99 : memref<624x64xf32, #tpu.memory_space<hbm>>)
      tpu.yield
    }) : () -> ()
    %eq3A = arith.constant 15 : i32
    %eq3A_91 = arith.cmpi eq, %arg1, %eq3A : i32
    %convert_element_type3A = arith.extui %eq3A_91 : i1 to i32
    %cond3A = arith.constant 0 : i32
    %cond3A_92 = arith.cmpi ne, %convert_element_type3A, %cond3A : i32
    scf.if %cond3A_92 {
      "tpu.region"() ({
        %run_scoped3A = tpu.sem_alloc : memref<!tpu.dma_semaphore, #tpu.memory_space<semaphore_mem>>
        %dma_start3A_93 = arith.constant 9984 : i32
        %dma_start3A_94 = arith.constant 0 : i32
        %dma_start3A_95 = tpu.memref_slice %arg6[%arg0, %dma_start3A_93, %dma_start3A_94] : memref<2x10000x64xf32, #tpu.memory_space<hbm>> -> memref<1x16x64xf32, #tpu.memory_space<hbm>>
        %dma_start3A_96 = tpu.memref_squeeze %dma_start3A_95 : memref<1x16x64xf32, #tpu.memory_space<hbm>> -> memref<16x64xf32, #tpu.memory_space<hbm>>
        %dma_start3A_97 = arith.constant 9984 : i32
        %dma_start3A_98 = arith.constant 0 : i32
        %dma_start3A_99 = tpu.memref_slice %arg10[%dma_start3A_97, %dma_start3A_98] : memref<10000x64xf32, #tpu.memory_space<vmem_shared>> -> memref<16x64xf32, #tpu.memory_space<vmem_shared>>
        tpu.enqueue_dma source(%dma_start3A_99 : memref<16x64xf32, #tpu.memory_space<vmem_shared>>) target(%dma_start3A_96 : memref<16x64xf32, #tpu.memory_space<hbm>>) target_semaphore(%run_scoped3A : memref<!tpu.dma_semaphore, #tpu.memory_space<semaphore_mem>>)
        %dma_wait3A = arith.constant 9984 : i32
        %dma_wait3A_100 = arith.constant 0 : i32
        %dma_wait3A_101 = tpu.memref_slice %arg6[%arg0, %dma_wait3A, %dma_wait3A_100] : memref<2x10000x64xf32, #tpu.memory_space<hbm>> -> memref<1x16x64xf32, #tpu.memory_space<hbm>>
        %dma_wait3A_102 = tpu.memref_squeeze %dma_wait3A_101 : memref<1x16x64xf32, #tpu.memory_space<hbm>> -> memref<16x64xf32, #tpu.memory_space<hbm>>
        %dma_wait3A_103 = arith.constant 9984 : i32
        %dma_wait3A_104 = arith.constant 0 : i32
        %dma_wait3A_105 = tpu.memref_slice %arg10[%dma_wait3A_103, %dma_wait3A_104] : memref<10000x64xf32, #tpu.memory_space<vmem_shared>> -> memref<16x64xf32, #tpu.memory_space<vmem_shared>>
        tpu.wait_dma2 semaphore(%run_scoped3A : memref<!tpu.dma_semaphore, #tpu.memory_space<semaphore_mem>>) src(%dma_wait3A_105 : memref<16x64xf32, #tpu.memory_space<vmem_shared>>) dst(%dma_wait3A_102 : memref<16x64xf32, #tpu.memory_space<hbm>>)
        tpu.yield
      }) : () -> ()
    } else {
    }
    return
  }
}

module attributes {stable_mosaic.version = 14 : i64} {
  func.func @_mlp_body(%arg0: i32, %arg1: memref<10000x128xf32, #tpu.memory_space<vmem>>, %arg2: memref<10000x64xf32, #tpu.memory_space<vmem>>, %arg3: memref<10000x64xf32, #tpu.memory_space<vmem>>, %arg4: memref<128x128xf32, #tpu.memory_space<vmem>>, %arg5: memref<1x128xf32, #tpu.memory_space<vmem>>, %arg6: memref<128x128xf32, #tpu.memory_space<vmem>>, %arg7: memref<1x128xf32, #tpu.memory_space<vmem>>, %arg8: memref<10000x128xf32, #tpu.memory_space<vmem>>, %arg9: memref<2x10000x64xf32, #tpu.memory_space<vmem>>) attributes {dimension_semantics = [#tpu.dimension_semantics<arbitrary>], iteration_bounds = array<i64: 1>, scalar_prefetch = 0 : i64, scratch_operands = 0 : i64, tpu.core_type = #tpu.core_type<tc>, window_params = [{transform_indices = @transform_0, window_bounds = array<i64: 10000, 128>}, {transform_indices = @transform_1, window_bounds = array<i64: 10000, 64>}, {transform_indices = @transform_2, window_bounds = array<i64: 10000, 64>}, {pipeline_mode = #tpu.pipeline_mode<synchronous>, transform_indices = @transform_3, window_bounds = array<i64: 128, 128>}, {pipeline_mode = #tpu.pipeline_mode<synchronous>, transform_indices = @transform_4, window_bounds = array<i64: 1, 128>}, {pipeline_mode = #tpu.pipeline_mode<synchronous>, transform_indices = @transform_5, window_bounds = array<i64: 128, 128>}, {pipeline_mode = #tpu.pipeline_mode<synchronous>, transform_indices = @transform_6, window_bounds = array<i64: 1, 128>}, {transform_indices = @transform_7, window_bounds = array<i64: 10000, 128>}, {transform_indices = @transform_8, window_bounds = array<i64: 2, 10000, 64>}]} {
    %get3A = arith.constant 0 : index
    %get3A_0 = arith.constant 0 : index
    %get3A_1 = vector.load %arg1[%get3A, %get3A_0] : memref<10000x128xf32, #tpu.memory_space<vmem>>, vector<10000x128xf32>
    %get3A_2 = arith.constant 0 : index
    %get3A_3 = arith.constant 0 : index
    %get3A_4 = vector.load %arg2[%get3A_2, %get3A_3] : memref<10000x64xf32, #tpu.memory_space<vmem>>, vector<10000x64xf32>
    %get3A_5 = arith.constant 0 : index
    %get3A_6 = arith.constant 0 : index
    %get3A_7 = vector.load %arg3[%get3A_5, %get3A_6] : memref<10000x64xf32, #tpu.memory_space<vmem>>, vector<10000x64xf32>
    %concatenate3A = tpu.concatenate %get3A_4, %get3A_7 in 1 : vector<10000x64xf32>, vector<10000x64xf32> -> vector<10000x128xf32>
    %add3A = arith.addf %get3A_1, %concatenate3A : vector<10000x128xf32>
    %get3A_8 = arith.constant 0 : index
    %get3A_9 = arith.constant 0 : index
    %get3A_10 = vector.load %arg4[%get3A_8, %get3A_9] : memref<128x128xf32, #tpu.memory_space<vmem>>, vector<128x128xf32>
    %dot_general3A = arith.constant dense<0.000000e+00> : vector<10000x128xf32>
    %dot_general3A_11 = tpu.matmul %add3A, %get3A_10, %dot_general3A {dimension_numbers = #tpu.dot_dimension_numbers<[1], [0], [0], [1], [0, 0, 1, 1], [], []>, transpose_lhs_hint = false} : vector<10000x128xf32>, vector<128x128xf32>, vector<10000x128xf32> -> vector<10000x128xf32>
    %get3A_12 = arith.constant 0 : index
    %get3A_13 = arith.constant 0 : index
    %get3A_14 = vector.load %arg5[%get3A_12, %get3A_13] : memref<1x128xf32, #tpu.memory_space<vmem>>, vector<1x128xf32>
    %add3A_15 = vector.broadcast %get3A_14 : vector<1x128xf32> to vector<10000x128xf32>
    %add3A_16 = arith.addf %dot_general3A_11, %add3A_15 : vector<10000x128xf32>
    %max3A = arith.constant 0.000000e+00 : f32
    %max3A_17 = vector.broadcast %max3A : f32 to vector<10000x128xf32>
    %max3A_18 = arith.maximumf %add3A_16, %max3A_17 : vector<10000x128xf32>
    %get3A_19 = arith.constant 0 : index
    %get3A_20 = arith.constant 0 : index
    %get3A_21 = vector.load %arg6[%get3A_19, %get3A_20] : memref<128x128xf32, #tpu.memory_space<vmem>>, vector<128x128xf32>
    %dot_general3A_22 = arith.constant dense<0.000000e+00> : vector<10000x128xf32>
    %dot_general3A_23 = tpu.matmul %max3A_18, %get3A_21, %dot_general3A_22 {dimension_numbers = #tpu.dot_dimension_numbers<[1], [0], [0], [1], [0, 0, 1, 1], [], []>, transpose_lhs_hint = false} : vector<10000x128xf32>, vector<128x128xf32>, vector<10000x128xf32> -> vector<10000x128xf32>
    %get3A_24 = arith.constant 0 : index
    %get3A_25 = arith.constant 0 : index
    %get3A_26 = vector.load %arg7[%get3A_24, %get3A_25] : memref<1x128xf32, #tpu.memory_space<vmem>>, vector<1x128xf32>
    %add3A_27 = vector.broadcast %get3A_26 : vector<1x128xf32> to vector<10000x128xf32>
    %add3A_28 = arith.addf %dot_general3A_23, %add3A_27 : vector<10000x128xf32>
    %max3A_29 = arith.constant 0.000000e+00 : f32
    %max3A_30 = vector.broadcast %max3A_29 : f32 to vector<10000x128xf32>
    %max3A_31 = arith.maximumf %add3A_28, %max3A_30 : vector<10000x128xf32>
    %swap3A = arith.constant 0 : index
    %swap3A_32 = arith.constant 0 : index
    %swap3A_33 = vector.load %arg8[%swap3A, %swap3A_32] : memref<10000x128xf32, #tpu.memory_space<vmem>>, vector<10000x128xf32>
    tpu.vector_store %arg8[%swap3A, %swap3A_32], %max3A_31 {strides = array<i32>} : memref<10000x128xf32, #tpu.memory_space<vmem>>, vector<10000x128xf32>,
    %slice3A = vector.extract_strided_slice %max3A_31 {offsets = [0, 0], sizes = [10000, 64], strides = [1, 1]} : vector<10000x128xf32> to vector<10000x64xf32>
    %swap3A_34 = arith.constant 0 : index
    %swap3A_35 = arith.constant 0 : index
    %swap3A_36 = arith.constant 0 : index
    %swap3A_37 = vector.load %arg9[%swap3A_34, %swap3A_35, %swap3A_36] : memref<2x10000x64xf32, #tpu.memory_space<vmem>>, vector<1x10000x64xf32>
    %swap3A_38 = vector.shape_cast %swap3A_37 : vector<1x10000x64xf32> to vector<10000x64xf32>
    %swap3A_39 = vector.shape_cast %slice3A : vector<10000x64xf32> to vector<1x10000x64xf32>
    tpu.vector_store %arg9[%swap3A_34, %swap3A_35, %swap3A_36], %swap3A_39 {strides = array<i32>} : memref<2x10000x64xf32, #tpu.memory_space<vmem>>, vector<1x10000x64xf32>,
    %slice3A_40 = vector.extract_strided_slice %max3A_31 {offsets = [0, 64], sizes = [10000, 64], strides = [1, 1]} : vector<10000x128xf32> to vector<10000x64xf32>
    %swap3A_41 = arith.constant 1 : index
    %swap3A_42 = arith.constant 0 : index
    %swap3A_43 = arith.constant 0 : index
    %swap3A_44 = vector.load %arg9[%swap3A_41, %swap3A_42, %swap3A_43] : memref<2x10000x64xf32, #tpu.memory_space<vmem>>, vector<1x10000x64xf32>
    %swap3A_45 = vector.shape_cast %swap3A_44 : vector<1x10000x64xf32> to vector<10000x64xf32>
    %swap3A_46 = vector.shape_cast %slice3A_40 : vector<10000x64xf32> to vector<1x10000x64xf32>
    tpu.vector_store %arg9[%swap3A_41, %swap3A_42, %swap3A_43], %swap3A_46 {strides = array<i32>} : memref<2x10000x64xf32, #tpu.memory_space<vmem>>, vector<1x10000x64xf32>,
    return
  }
  func.func @transform_0(%arg0: i32) -> (i32, i32) {
    %c0_i32 = arith.constant 0 : i32
    %c0_i32_0 = arith.constant 0 : i32
    return %arg0, %c0_i32 : i32, i32
  }
  func.func @transform_1(%arg0: i32) -> (i32, i32) {
    %c0_i32 = arith.constant 0 : i32
    %c0_i32_0 = arith.constant 0 : i32
    return %arg0, %c0_i32 : i32, i32
  }
  func.func @transform_2(%arg0: i32) -> (i32, i32) {
    %c0_i32 = arith.constant 0 : i32
    %c0_i32_0 = arith.constant 0 : i32
    return %arg0, %c0_i32 : i32, i32
  }
  func.func @transform_3(%arg0: i32) -> (i32, i32) {
    %c0_i32 = arith.constant 0 : i32
    %c0_i32_0 = arith.constant 0 : i32
    %c0_i32_1 = arith.constant 0 : i32
    return %c0_i32, %c0_i32_0 : i32, i32
  }
  func.func @transform_4(%arg0: i32) -> (i32, i32) {
    %c0_i32 = arith.constant 0 : i32
    %c0_i32_0 = arith.constant 0 : i32
    %c0_i32_1 = arith.constant 0 : i32
    return %c0_i32, %c0_i32_0 : i32, i32
  }
  func.func @transform_5(%arg0: i32) -> (i32, i32) {
    %c0_i32 = arith.constant 0 : i32
    %c0_i32_0 = arith.constant 0 : i32
    %c0_i32_1 = arith.constant 0 : i32
    return %c0_i32, %c0_i32_0 : i32, i32
  }
  func.func @transform_6(%arg0: i32) -> (i32, i32) {
    %c0_i32 = arith.constant 0 : i32
    %c0_i32_0 = arith.constant 0 : i32
    %c0_i32_1 = arith.constant 0 : i32
    return %c0_i32, %c0_i32_0 : i32, i32
  }
  func.func @transform_7(%arg0: i32) -> (i32, i32) {
    %c0_i32 = arith.constant 0 : i32
    %c0_i32_0 = arith.constant 0 : i32
    return %arg0, %c0_i32 : i32, i32
  }
  func.func @transform_8(%arg0: i32) -> (i32, i32, i32) {
    %c0_i32 = arith.constant 0 : i32
    %c0_i32_0 = arith.constant 0 : i32
    %c0_i32_1 = arith.constant 0 : i32
    return %c0_i32, %arg0, %c0_i32_0 : i32, i32, i32
  }
}

module attributes {stable_mosaic.version = 14 : i64} {
  func.func @_head_body(%arg0: i32, %arg1: memref<10000x128xf32, #tpu.memory_space<vmem>>, %arg2: memref<10000x64xf32, #tpu.memory_space<vmem>>, %arg3: memref<10000x64xf32, #tpu.memory_space<vmem>>, %arg4: memref<128x128xf32, #tpu.memory_space<vmem>>, %arg5: memref<1x128xf32, #tpu.memory_space<vmem>>, %arg6: memref<128x128xf32, #tpu.memory_space<vmem>>, %arg7: memref<1x128xf32, #tpu.memory_space<vmem>>, %arg8: memref<128x128xf32, #tpu.memory_space<vmem>>, %arg9: memref<1x128xf32, #tpu.memory_space<vmem>>, %arg10: memref<128x128xf32, #tpu.memory_space<vmem>>, %arg11: memref<1x128xf32, #tpu.memory_space<vmem>>, %arg12: memref<10000x128xf32, #tpu.memory_space<vmem>>) attributes {dimension_semantics = [#tpu.dimension_semantics<arbitrary>], iteration_bounds = array<i64: 1>, scalar_prefetch = 0 : i64, scratch_operands = 0 : i64, tpu.core_type = #tpu.core_type<tc>, window_params = [{transform_indices = @transform_0, window_bounds = array<i64: 10000, 128>}, {transform_indices = @transform_1, window_bounds = array<i64: 10000, 64>}, {transform_indices = @transform_2, window_bounds = array<i64: 10000, 64>}, {pipeline_mode = #tpu.pipeline_mode<synchronous>, transform_indices = @transform_3, window_bounds = array<i64: 128, 128>}, {pipeline_mode = #tpu.pipeline_mode<synchronous>, transform_indices = @transform_4, window_bounds = array<i64: 1, 128>}, {pipeline_mode = #tpu.pipeline_mode<synchronous>, transform_indices = @transform_5, window_bounds = array<i64: 128, 128>}, {pipeline_mode = #tpu.pipeline_mode<synchronous>, transform_indices = @transform_6, window_bounds = array<i64: 1, 128>}, {pipeline_mode = #tpu.pipeline_mode<synchronous>, transform_indices = @transform_7, window_bounds = array<i64: 128, 128>}, {pipeline_mode = #tpu.pipeline_mode<synchronous>, transform_indices = @transform_8, window_bounds = array<i64: 1, 128>}, {pipeline_mode = #tpu.pipeline_mode<synchronous>, transform_indices = @transform_9, window_bounds = array<i64: 128, 128>}, {pipeline_mode = #tpu.pipeline_mode<synchronous>, transform_indices = @transform_10, window_bounds = array<i64: 1, 128>}, {transform_indices = @transform_11, window_bounds = array<i64: 10000, 128>}]} {
    %get3A = arith.constant 0 : index
    %get3A_0 = arith.constant 0 : index
    %get3A_1 = vector.load %arg1[%get3A, %get3A_0] : memref<10000x128xf32, #tpu.memory_space<vmem>>, vector<10000x128xf32>
    %get3A_2 = arith.constant 0 : index
    %get3A_3 = arith.constant 0 : index
    %get3A_4 = vector.load %arg2[%get3A_2, %get3A_3] : memref<10000x64xf32, #tpu.memory_space<vmem>>, vector<10000x64xf32>
    %get3A_5 = arith.constant 0 : index
    %get3A_6 = arith.constant 0 : index
    %get3A_7 = vector.load %arg3[%get3A_5, %get3A_6] : memref<10000x64xf32, #tpu.memory_space<vmem>>, vector<10000x64xf32>
    %concatenate3A = tpu.concatenate %get3A_4, %get3A_7 in 1 : vector<10000x64xf32>, vector<10000x64xf32> -> vector<10000x128xf32>
    %add3A = arith.addf %get3A_1, %concatenate3A : vector<10000x128xf32>
    %get3A_8 = arith.constant 0 : index
    %get3A_9 = arith.constant 0 : index
    %get3A_10 = vector.load %arg4[%get3A_8, %get3A_9] : memref<128x128xf32, #tpu.memory_space<vmem>>, vector<128x128xf32>
    %dot_general3A = arith.constant dense<0.000000e+00> : vector<10000x128xf32>
    %dot_general3A_11 = tpu.matmul %add3A, %get3A_10, %dot_general3A {dimension_numbers = #tpu.dot_dimension_numbers<[1], [0], [0], [1], [0, 0, 1, 1], [], []>, transpose_lhs_hint = false} : vector<10000x128xf32>, vector<128x128xf32>, vector<10000x128xf32> -> vector<10000x128xf32>
    %get3A_12 = arith.constant 0 : index
    %get3A_13 = arith.constant 0 : index
    %get3A_14 = vector.load %arg5[%get3A_12, %get3A_13] : memref<1x128xf32, #tpu.memory_space<vmem>>, vector<1x128xf32>
    %add3A_15 = vector.broadcast %get3A_14 : vector<1x128xf32> to vector<10000x128xf32>
    %add3A_16 = arith.addf %dot_general3A_11, %add3A_15 : vector<10000x128xf32>
    %max3A = arith.constant 0.000000e+00 : f32
    %max3A_17 = vector.broadcast %max3A : f32 to vector<10000x128xf32>
    %max3A_18 = arith.maximumf %add3A_16, %max3A_17 : vector<10000x128xf32>
    %get3A_19 = arith.constant 0 : index
    %get3A_20 = arith.constant 0 : index
    %get3A_21 = vector.load %arg6[%get3A_19, %get3A_20] : memref<128x128xf32, #tpu.memory_space<vmem>>, vector<128x128xf32>
    %dot_general3A_22 = arith.constant dense<0.000000e+00> : vector<10000x128xf32>
    %dot_general3A_23 = tpu.matmul %max3A_18, %get3A_21, %dot_general3A_22 {dimension_numbers = #tpu.dot_dimension_numbers<[1], [0], [0], [1], [0, 0, 1, 1], [], []>, transpose_lhs_hint = false} : vector<10000x128xf32>, vector<128x128xf32>, vector<10000x128xf32> -> vector<10000x128xf32>
    %get3A_24 = arith.constant 0 : index
    %get3A_25 = arith.constant 0 : index
    %get3A_26 = vector.load %arg7[%get3A_24, %get3A_25] : memref<1x128xf32, #tpu.memory_space<vmem>>, vector<1x128xf32>
    %add3A_27 = vector.broadcast %get3A_26 : vector<1x128xf32> to vector<10000x128xf32>
    %add3A_28 = arith.addf %dot_general3A_23, %add3A_27 : vector<10000x128xf32>
    %max3A_29 = arith.constant 0.000000e+00 : f32
    %max3A_30 = vector.broadcast %max3A_29 : f32 to vector<10000x128xf32>
    %max3A_31 = arith.maximumf %add3A_28, %max3A_30 : vector<10000x128xf32>
    %get3A_32 = arith.constant 0 : index
    %get3A_33 = arith.constant 0 : index
    %get3A_34 = vector.load %arg8[%get3A_32, %get3A_33] : memref<128x128xf32, #tpu.memory_space<vmem>>, vector<128x128xf32>
    %dot_general3A_35 = arith.constant dense<0.000000e+00> : vector<10000x128xf32>
    %dot_general3A_36 = tpu.matmul %max3A_31, %get3A_34, %dot_general3A_35 {dimension_numbers = #tpu.dot_dimension_numbers<[1], [0], [0], [1], [0, 0, 1, 1], [], []>, transpose_lhs_hint = false} : vector<10000x128xf32>, vector<128x128xf32>, vector<10000x128xf32> -> vector<10000x128xf32>
    %get3A_37 = arith.constant 0 : index
    %get3A_38 = arith.constant 0 : index
    %get3A_39 = vector.load %arg9[%get3A_37, %get3A_38] : memref<1x128xf32, #tpu.memory_space<vmem>>, vector<1x128xf32>
    %add3A_40 = vector.broadcast %get3A_39 : vector<1x128xf32> to vector<10000x128xf32>
    %add3A_41 = arith.addf %dot_general3A_36, %add3A_40 : vector<10000x128xf32>
    %max3A_42 = arith.constant 0.000000e+00 : f32
    %max3A_43 = vector.broadcast %max3A_42 : f32 to vector<10000x128xf32>
    %max3A_44 = arith.maximumf %add3A_41, %max3A_43 : vector<10000x128xf32>
    %get3A_45 = arith.constant 0 : index
    %get3A_46 = arith.constant 0 : index
    %get3A_47 = vector.load %arg10[%get3A_45, %get3A_46] : memref<128x128xf32, #tpu.memory_space<vmem>>, vector<128x128xf32>
    %dot_general3A_48 = arith.constant dense<0.000000e+00> : vector<10000x128xf32>
    %dot_general3A_49 = tpu.matmul %max3A_44, %get3A_47, %dot_general3A_48 {dimension_numbers = #tpu.dot_dimension_numbers<[1], [0], [0], [1], [0, 0, 1, 1], [], []>, transpose_lhs_hint = false} : vector<10000x128xf32>, vector<128x128xf32>, vector<10000x128xf32> -> vector<10000x128xf32>
    %get3A_50 = arith.constant 0 : index
    %get3A_51 = arith.constant 0 : index
    %get3A_52 = vector.load %arg11[%get3A_50, %get3A_51] : memref<1x128xf32, #tpu.memory_space<vmem>>, vector<1x128xf32>
    %add3A_53 = vector.broadcast %get3A_52 : vector<1x128xf32> to vector<10000x128xf32>
    %add3A_54 = arith.addf %dot_general3A_49, %add3A_53 : vector<10000x128xf32>
    %swap3A = arith.constant 0 : index
    %swap3A_55 = arith.constant 0 : index
    %swap3A_56 = vector.load %arg12[%swap3A, %swap3A_55] : memref<10000x128xf32, #tpu.memory_space<vmem>>, vector<10000x128xf32>
    tpu.vector_store %arg12[%swap3A, %swap3A_55], %add3A_54 {strides = array<i32>} : memref<10000x128xf32, #tpu.memory_space<vmem>>, vector<10000x128xf32>,
    return
  }
  func.func @transform_0(%arg0: i32) -> (i32, i32) {
    %c0_i32 = arith.constant 0 : i32
    %c0_i32_0 = arith.constant 0 : i32
    return %arg0, %c0_i32 : i32, i32
  }
  func.func @transform_1(%arg0: i32) -> (i32, i32) {
    %c0_i32 = arith.constant 0 : i32
    %c0_i32_0 = arith.constant 0 : i32
    return %arg0, %c0_i32 : i32, i32
  }
  func.func @transform_2(%arg0: i32) -> (i32, i32) {
    %c0_i32 = arith.constant 0 : i32
    %c0_i32_0 = arith.constant 0 : i32
    return %arg0, %c0_i32 : i32, i32
  }
  func.func @transform_3(%arg0: i32) -> (i32, i32) {
    %c0_i32 = arith.constant 0 : i32
    %c0_i32_0 = arith.constant 0 : i32
    %c0_i32_1 = arith.constant 0 : i32
    return %c0_i32, %c0_i32_0 : i32, i32
  }
  func.func @transform_4(%arg0: i32) -> (i32, i32) {
    %c0_i32 = arith.constant 0 : i32
    %c0_i32_0 = arith.constant 0 : i32
    %c0_i32_1 = arith.constant 0 : i32
    return %c0_i32, %c0_i32_0 : i32, i32
  }
  func.func @transform_5(%arg0: i32) -> (i32, i32) {
    %c0_i32 = arith.constant 0 : i32
    %c0_i32_0 = arith.constant 0 : i32
    %c0_i32_1 = arith.constant 0 : i32
    return %c0_i32, %c0_i32_0 : i32, i32
  }
  func.func @transform_6(%arg0: i32) -> (i32, i32) {
    %c0_i32 = arith.constant 0 : i32
    %c0_i32_0 = arith.constant 0 : i32
    %c0_i32_1 = arith.constant 0 : i32
    return %c0_i32, %c0_i32_0 : i32, i32
  }
  func.func @transform_7(%arg0: i32) -> (i32, i32) {
    %c0_i32 = arith.constant 0 : i32
    %c0_i32_0 = arith.constant 0 : i32
    %c0_i32_1 = arith.constant 0 : i32
    return %c0_i32, %c0_i32_0 : i32, i32
  }
  func.func @transform_8(%arg0: i32) -> (i32, i32) {
    %c0_i32 = arith.constant 0 : i32
    %c0_i32_0 = arith.constant 0 : i32
    %c0_i32_1 = arith.constant 0 : i32
    return %c0_i32, %c0_i32_0 : i32, i32
  }
  func.func @transform_9(%arg0: i32) -> (i32, i32) {
    %c0_i32 = arith.constant 0 : i32
    %c0_i32_0 = arith.constant 0 : i32
    %c0_i32_1 = arith.constant 0 : i32
    return %c0_i32, %c0_i32_0 : i32, i32
  }
  func.func @transform_10(%arg0: i32) -> (i32, i32) {
    %c0_i32 = arith.constant 0 : i32
    %c0_i32_0 = arith.constant 0 : i32
    %c0_i32_1 = arith.constant 0 : i32
    return %c0_i32, %c0_i32_0 : i32, i32
  }
  func.func @transform_11(%arg0: i32) -> (i32, i32) {
    %c0_i32 = arith.constant 0 : i32
    %c0_i32_0 = arith.constant 0 : i32
    return %arg0, %c0_i32 : i32, i32
  }
}

</mosaic_0001>

<sc_bundles>
// kernel: kernel.6.cloned.1.call-start
scs
__scs_entry_jumppad:
0x0: {  	(pc) =	sbr.rel $0x88, $3  }
0x1: {  	(tag) =	ssettag $0x0;
	lr =	simm.s32 $0x1  }
0x2: {  	[smem:$0x3F93] =	sst lr;
	_ =	strace $0xD0000000  }
0x3: {  	_ = 	snop  }
0x4: {  	_ = 	snop  }
0x5: {  	_ = 	snop  }
0x6: {  	_ = 	snop  }
0x7: {  	_ = 	snop  }
__scs_overlays_trampoline_lowered:
0x8: {  	[smem:$0x3FA2] =	sst s0  }
0x9: {  	[smem:$0x3FA3] =	sst s1  }
0xa: {  	[smem:$0x3FA4] =	sst s2  }
0xb: {  	[smem:$0x3FA5] =	sst s3  }
0xc: {  	[smem:$0x3FA6] =	sst s4  }
0xd: {  	[smem:$0x3FA7] =	sst s5  }
0xe: {  	[smem:$0x3FA8] =	sst s6  }
0xf: {  	[smem:$0x3FA9] =	sst s7  }
0x10: {  	[smem:$0x3FAA] =	sst s8  }
0x11: {  	[smem:$0x3FAB] =	sst s9;
	s0 =	simm.s32 @!p0 $0x0  }
0x12: {  	s1 =	sld [smem:$0x3F91];
	s0 =	simm.s32 @p0 $0x1  }
0x13: {  	[smem:$0x3FAC] =	sst s0;
	s0 =	simm.s32 @!p1 $0x0  }
0x14: {  	s2 =	sld [smem:$0x3F90];
	s0 =	simm.s32 @p1 $0x1  }
0x15: {  	[smem:$0x3FAD] =	sst s0;
	s0 =	simm.s32 @!p2 $0x0  }
0x16: {  	s3 =	sld [smem:$0x3FDB];
	s0 =	simm.s32 @p2 $0x1  }
0x17: {  	s4 =	simm.s32 $0x1BF5;
	[smem:$0x3FAF] =	sst s0  }
0x18: {  	s0 =	sld [smem:$0x3F92];
	_ =	swait.ge [sflag:s4], $0x0  }
0x19: {  	s7 =	sld [smem:$0x3F93]  }
0x1a: {  	s8 =	sadd.s32 $0xFFFFE003, lr  }
0x1b: {  	s9 =	sadd.s32 $0xFFFFFEF7, lr;
	s5 =	simm.s32 $0xFFFFFFFF;
	p2 =	slt.u32 s8, $0xFFFFF086  }
0x1c: {  	p1 =	slt.u32 s9, $0xF7A;
	s5 =	simm.s32 @!p2 $0x0  }
0x1d: {  	s5 =	simm.s32 @p1 $0x1;
	p0 =	seq.s32 s7, s2  }
0x1e: {  	s7 =	smul.u32 @!p0 $0xF7A, s2;
	p2 =	seq.s32 @!p0 s5, $0x0  }
0x1f: {  	s9 =	smul.u32 $0xF7A, s1;
	s8 =	simm.s32 @!p0 $0x1BF5;
	p2 =	por !p2, p0  }
0x20: {  	[sflag:s8] =	ssyncset.s32 @!p0 $0xFFFFF086;
	s6 =	sadd.s32 @!p0 s3, s7;
	s7 =	simm.s32 @!p0 $0x108  }
0x21: {  	s3 =	sadd.s32 s3, s9;
	s6 =	sadd.s32 @!p0 $0x88, s6;
	s7 =	simm.s32 @p2 $0x1082  }
0x22: {  	[simem:s7], [sflag:s8] =	dma.local @!p0 [hbm:s6], $0xF7A  }
0x23: {  	s9 =	sor.u32 $0xD0000000, s2;
	s6 =	simm.s32 $0x108;
	_ =	swait.ge @!p0 [sflag:s8], $0x0  }
0x24: {  	s3 =	sadd.s32 $0x88, s3;
	s6 =	simm.s32 @!p1 $0x1082;
	[sflag:s4] =	ssyncset.s32 $0xFFFFF086  }
0x25: {  	[simem:s6], [sflag:s4] =	dma.local [hbm:s3], $0xF7A  }
0x26: {  	[smem:$0x3F93] =	sst s1;
	(tag) =	ssettag s2;
	_ =	strace s9  }
0x27: {  	s1 =	sld [smem:$0x3FA3]  }
0x28: {  	s2 =	sld [smem:$0x3FA4]  }
0x29: {  	s4 =	sld [smem:$0x3FA6]  }
0x2a: {  	p0 =	seq.s32 s5, $0x0;
	s5 =	sld [smem:$0x3FA7]  }
0x2b: {  	s6 =	sld [smem:$0x3FA8]  }
0x2c: {  	s7 =	sld [smem:$0x3FA9]  }
0x2d: {  	s3 =	simm.s32 $0x108;
	s8 =	sld [smem:$0x3FAA]  }
0x2e: {  	s3 =	simm.s32 @!p0 $0x1082;
	s9 =	sld [smem:$0x3FAB]  }
0x2f: {  	lr =	sadd.s32 s0, s3;
	s0 =	sld [smem:$0x3FA2]  }
0x30: {  	s3 =	sld [smem:$0x3FA5]  }
0x31: {  	[smem:$0x3FAE] =	sst s10  }
0x32: {  	s10 =	sld [smem:$0x3FAC];
	_ =	sdelay $0x3  }
0x33: {  	p0 =	seq.s32 s10, $0x1;
	s10 =	sld [smem:$0x3FAE];
	_ =	sdelay $0x3  }
0x34: {  	[smem:$0x3FAE] =	sst s10  }
0x35: {  	s10 =	sld [smem:$0x3FAD];
	_ =	sdelay $0x3  }
0x36: {  	p1 =	seq.s32 s10, $0x1;
	s10 =	sld [smem:$0x3FAE];
	_ =	sdelay $0x3  }
0x37: {  	[smem:$0x3FAE] =	sst s10  }
0x38: {  	s10 =	sld [smem:$0x3FAF]  }
0x39: {  	_ = 	snop;
	(pc) =	sbr.ind lr, $3  }
0x3a: {  	_ = 	snop  }
0x3b: {  	_ = 	snop  }
0x3c: {  	p2 =	seq.s32 s10, $0x1;
	s10 =	sld [smem:$0x3FAE]  }
0x3d: {  	_ =	shalt  }
0x3e: {  	_ =	shalt  }
0x3f: {  	_ =	shalt  }
0x40: {  	_ =	shalt  }
0x41: {  	_ =	shalt  }
0x42: {  	_ =	shalt  }
0x43: {  	_ =	shalt  }
0x44: {  	_ =	shalt  }
0x45: {  	_ =	shalt  }
0x46: {  	_ =	shalt  }
0x47: {  	_ =	shalt  }
0x48: {  	_ =	shalt  }
0x49: {  	_ =	shalt  }
0x4a: {  	_ =	shalt  }
0x4b: {  	_ =	shalt  }
0x4c: {  	_ =	shalt  }
0x4d: {  	_ =	shalt  }
0x4e: {  	_ =	shalt  }
0x4f: {  	_ =	shalt  }
0x50: {  	_ =	shalt  }
0x51: {  	_ =	shalt  }
0x52: {  	_ =	shalt  }
0x53: {  	_ =	shalt  }
0x54: {  	_ =	shalt  }
0x55: {  	_ =	shalt  }
0x56: {  	_ =	shalt  }
0x57: {  	_ =	shalt  }
0x58: {  	_ =	shalt  }
0x59: {  	_ =	shalt  }
0x5a: {  	_ =	shalt  }
0x5b: {  	_ =	shalt  }
0x5c: {  	_ =	shalt  }
0x5d: {  	_ =	shalt  }
0x5e: {  	_ =	shalt  }
0x5f: {  	_ =	shalt  }
0x60: {  	_ =	shalt  }
0x61: {  	_ =	shalt  }
0x62: {  	_ =	shalt  }
0x63: {  	_ =	shalt  }
0x64: {  	_ =	shalt  }
0x65: {  	_ =	shalt  }
0x66: {  	_ =	shalt  }
0x67: {  	_ =	shalt  }
0x68: {  	_ =	shalt  }
0x69: {  	_ =	shalt  }
0x6a: {  	_ =	shalt  }
0x6b: {  	_ =	shalt  }
0x6c: {  	_ =	shalt  }
0x6d: {  	_ =	shalt  }
0x6e: {  	_ =	shalt  }
0x6f: {  	_ =	shalt  }
0x70: {  	_ =	shalt  }
0x71: {  	_ =	shalt  }
0x72: {  	_ =	shalt  }
0x73: {  	_ =	shalt  }
0x74: {  	_ =	shalt  }
0x75: {  	_ =	shalt  }
0x76: {  	_ =	shalt  }
0x77: {  	_ =	shalt  }
0x78: {  	_ =	shalt  }
0x79: {  	_ =	shalt  }
0x7a: {  	_ =	shalt  }
0x7b: {  	_ =	shalt  }
0x7c: {  	_ =	shalt  }
0x7d: {  	_ =	shalt  }
0x7e: {  	_ =	shalt  }
0x7f: {  	_ =	shalt  }
0x80: {  	_ =	shalt  }
0x81: {  	_ =	shalt  }
0x82: {  	_ =	shalt  }
0x83: {  	_ =	shalt  }
0x84: {  	_ =	shalt  }
0x85: {  	_ =	shalt  }
0x86: {  	_ =	shalt  }
0x87: {  	_ =	shalt  }
.Lfunc_end0:
.L_simem_size_0:
called_computation_lowered:
.L_overlay_start_0:
0x88: {  	s2 =	sld [smem:$0x3FD9]  }
0x89: {  	s3 =	sld [smem:$0x3FFE];
	_ =	sdelay $0x1  }
0x8a: {  	s1 =	srdreg.scid  }
0x8b: {  	s0 =	sand.u32 $0x1, s1  }
0x8c: {  	s14 =	sshll.u32 s0, $0xA;
	s2 =	sadd.s32 s3, s2  }
0x8d: {  	s2 =	sadd.s32 s2, s14  }
0x8e: {  	[smem:$0x3FBA] =	sst s2  }
0x8f: {  	_ = 	snop  }
0x90: {  	s2 =	sld [smem:$0x3FD0];
	_ =	sdelay $0x2  }
0x91: {  	s15 =	simm.s32 $0xA;
	s4 =	simm.s32 $0x10  }
0x92: {  	[smem:s4], [sflag:s15] =	dma.local [hbm:s2], $0x1  }
0x93: {  	_ =	swait.eq [sflag:s15], $0x1  }
0x94: {  	[sflag:s15] =	ssyncset.done $0x0  }
0x95: {  	[sflag:s15] =	ssyncadd.s32 $0xFFFFFFFF  }
0x96: {  	s16 =	sld [smem:$0x10];
	(tm) =	ssettm $0x1  }
0x97: {  	s17 =	sld [smem:$0x3FFB];
	_ =	sdelay $0x3  }
0x98: {  	_ =	strace s17  }
0x99: {  	s3 =	sld [smem:$0x3FFC];
	_ =	sdelay $0x3  }
0x9a: {  	_ =	strace s3  }
0x9b: {  	s3 =	sld [smem:$0x3FFD];
	_ =	sdelay $0x3  }
0x9c: {  	_ =	strace s3  }
0x9d: {  	_ =	strace $0x8FFFFFFF  }
0x9e: {  	s18 =	sld [smem:$0x3FDB];
	_ =	sdelay $0x1  }
0x9f: {  	s19 =	simm.s32 $_scs_section_size  }
0xa0: {  	s5 =	simm.s32 $_size__tile_overlayer_lowered;
	s6 =	simm.s32 $_tile_overlayer_lowered  }
0xa1: {  	s22 =	simm.s32 $0x1BFF;
	s21 =	sshll.u32 s6, $0x1;
	s3 =	sadd.s32 s19, s18  }
0xa2: {  	s7 =	simm.s32 $0x0;
	s20 =	sshll.u32 s5, $0x1;
	s5 =	sadd.s32 s21, s3  }
0xa3: {  	[timem:s7], [sflag:s22] =	dma.local [hbm:s5], s20  }
0xa4: {  	_ =	swait.ge [sflag:s22], s20  }
0xa5: {  	s4 =	ssub.s32 $0x0, s20;
	[sflag:s22] =	ssyncset.done $0x0  }
0xa6: {  	[sflag:s22] =	ssyncadd.s32 s4;
	_ =	sdelay $0x1  }
0xa7: {  	s23 =	simm.s32 $0x1B8B  }
0xa8: {  	_ =	swait.ge [sflag:s23], $0x1  }
0xa9: {  	[sflag:s23] =	ssyncset.done $0x0  }
0xaa: {  	s25 =	simm.s32 $0x1B8E;
	s24 =	sld [smem:$0x3FFE];
	[sflag:s23] =	ssyncadd.s32 $0xFFFFFFFF  }
0xab: {  	s26 =	simm.s32 $execute0_lowered;
	[smem:$0x3FD2] =	sst s25  }
0xac: {  	s5 =	sshll.u32 s26, $0x1;
	_ =	strace $0x80000046;
	[dreg:$0x1] =	wrdreg $0xFFFFFFFF  }
0xad: {  	s28 =	simm.s32 $_size_execute0_lowered;
	s3 =	sadd.s32 s3, s5;
	[dreg:$0x0] =	wrdreg $0x0  }
0xae: {  	s5 =	sshll.u32 s28, $0x1;
	[dreg:$0x2] =	wrdreg s3  }
0xaf: {  	[dreg:$0x3] =	wrdreg s5  }
0xb0: {  	[dreg:$0x4] =	wrdreg $0xC0  }
0xb1: {  	_ =	task [dreg:s7], $0x5FFFF  }
0xb2: {  	[dreg:$0x1] =	wrdreg $0xFFFFFFFF  }
0xb3: {  	[dreg:$0x0] =	wrdreg $0x60  }
0xb4: {  	[dreg:$0x2] =	wrdreg s24  }
0xb5: {  	[dreg:$0x3] =	wrdreg s16  }
0xb6: {  	[dreg:$0x4] =	wrdreg $0x100400  }
0xb7: {  	[dreg:$0x5] =	wrdreg $0x9  }
0xb8: {  	_ =	task.clear_ibuf [dreg:s7], $0x6FFFF;
	_ =	strace $0x90000046  }
0xb9: {  	s29 =	simm.s32 $0x9;
	_ =	strace $0x80000048  }
0xba: {  	_ =	swait.ge [sflag:s29], $0x1  }
0xbb: {  	[sflag:s29] =	ssyncadd.s32 $0xFFFFFFFF  }
0xbc: {  	_ =	strace $0x90000048  }
0xbd: {  	_ =	sfence  }
0xbe: {  	s30 =	sld [smem:$0x0];
	_ =	sdelay $0x2  }
0xbf: {  	s31 =	sshll.u32 s1, $0xD;
	s1 =	sshrl.u32 s1, $0x2  }
0xc0: {  	s3 =	sand.u32 $0x4000, s31;
	s1 =	sadd.s32 s1, s30  }
0xc1: {  	s0 =	sor.u32 s3, s0;
	s1 =	sshll.u32 s1, $0x11  }
0xc2: {  	s0 =	sor.u32 s1, s0  }
0xc3: {  	s0 =	sadd.s32 $0x8F2B, s0  }
0xc4: {  	[sflag:s0] =	ssyncadd.remote.s32 $0x1  }
0xc5: {  	_ =	sfence.sel $0xFFFF  }
0xc6: {  	[dreg:$0x0] =	wrdreg $0xFFFFFFFF;
	(pc) =	sbr.abs _section_cstart, $3  }
0xc7: {  	[dreg:$0x1] =	wrdreg $0xFFFFFFFF  }
0xc8: {  	_ =	task.clear_ibuf [dreg:s7], $0x2FFFF;
	_ =	strace $0x9FFFFFFF  }
0xc9: {  	(tm) =	ssettm $0x7FFFFFFF  }
tec
execute0_lowered:
.L_overlay_start_1:
0x0: {  	(tag) =	ssettag $0x1  }
0x1: {  	s0 =	rddreg [dreg:$0x0]  }
0x2: {  	s1 =	srdreg.scid;
	s2 =	rddreg [dreg:$0x2];
	s4 =	simm.s32 $0x0  }
0x3: {  	s18 =	stileid.u32;
	s11 =	simm.s32 $0xB;
	s15 =	simm.s32 $0x50  }
0x4: {  	s16 =	simm.s32 $0x9C40;
	s17 =	simm.s32 $0xB040;
	s19 =	simm.s32 $0xC440  }
0x5: {  	s21 =	simm.s32 $0xD840;
	s23 =	simm.s32 $0xEC40;
	s28 =	simm.s32 $0x6  }
0x6: {  	s29 =	simm.s32 $0x2;
	s30 =	simm.s32 $0x7;
	s6 =	smul.u32 $0x9C4, s18  }
0x7: {  	s31 =	simm.s32 $0x3;
	s22 =	simm.s32 $0x0;
	s8 =	smul.u32 $0x27100, s18  }
0x8: {  	s1 =	sand.u32 $0x1, s1;
	[smem:$0x7FF] =	sst s4;
	s10 =	smul.u32 $0x9C00, s18  }
0x9: {  	s26 =	sshll.u32 s18, $0x6;
	p0 =	sne.s32 s18, $0xF;
	s18 =	simm.s32 $0xA  }
0xa: {  	s3 =	smul.u32 $0x9C400, s1;
	_ =	strace $0x80000047;
	s1 =	ssub.s32 $0x2, s1  }
0xb: {  	s13 =	sor.u32 $0x1C0B, s26;
	s26 =	simm.s32 $0x1;
	s6 =	sadd.s32 s6, s0  }
0xc: {  	s9 =	sshrl.u32 s1, $0x1;
	s8 =	sshrl.u32 s8, $0x2;
	s25 =	sadd.s32 s10, s2  }
0xd: {  	s5 =	sshrl.u32 s3, $0x3;
	s1 =	ssub.s32 s1, s9;
	s24 =	sadd.s32 $0xB800, s6  }
0xe: {  	s6 =	sadd.s32 $0x1A00, s6;
	s3 =	sadd.s32 s10, s3;
	s12 =	sadd.s32 s8, s2  }
0xf: {  	s7 =	sadd.s32 s5, s0;
	s0 =	sadd.s32 $0x3C800, s0;
	[dreg:$0x4] =	wrdreg s24  }
0x10: {  	[dreg:$0x5] =	wrdreg s6;
	s3 =	sshrl.u32 s3, $0x3;
	s10 =	smax.u32 s1, $0x1  }
0x11: {  	s14 =	sshrl.u32 s12, $0x3;
	s24 =	sshrl.u32 s25, $0x3;
	s1 =	simm.s32 $0x9  }
0x12: {  	s12 =	simm.s32 $0x5;
	s8 =	sadd.s32 s0, s3;
	s0 =	sadd.s32 s0, s5  }
0x13: {  	s7 =	sadd.s32 $0x15600, s7;
	s9 =	sadd.s32 $0x13800, s0;
	s0 =	sadd.s32 $0x9C000, s2  }
0x14: {  	s3 =	simm.s32 $0x4;
	s25 =	sshrl.u32 @!p0 s0, $0x3;
	s0 =	simm.s32 $0x8  }
.LBB2_1:
0x15: {  	s5 =	rddreg [dreg:$0x4]  }
0x16: {  	[tilespmem:s4], [sflag:$0xB] =	stream.linear.gather [hbm4b:s5+s4], $0x4E20, $0x38;
	[tilespmem:$0x19C80] =	vst v63  }
0x17: {  	_ =	swait.ge [sflag:s11], $0x4E20  }
0x18: {  	[sflag:s11] =	ssyncset.done $0x0  }
0x19: {  	s6 =	simm.s32 $0x4E20;
	s20 =	rddreg [dreg:$0x5];
	[sflag:s11] =	ssyncadd.s32 $0xFFFFB1E0  }
0x1a: {  	[tilespmem:s6], [sflag:$0xB] =	stream.linear.gather [hbm4b:s20+s4], $0x4E20, $0x38;
	[tilespmem:$0x19C80] =	vst v63  }
0x1b: {  	_ =	swait.ge [sflag:s11], $0x4E20  }
0x1c: {  	[sflag:s11] =	ssyncset.done $0x0  }
0x1d: {  	[sflag:s11] =	ssyncadd.s32 $0xFFFFB1E0  }
0x1e: {  	s20 =	rddreg [dreg:$0x1]  }
0x1f: {  	[spmem:s14], [sflag:s13] =	dma.local [hbm:s20], $0x1388  }
0x20: {  	_ =	swait.ge [sflag:s11], $0x1388  }
0x21: {  	[sflag:s11] =	ssyncset.done $0x0  }
0x22: {  	[sflag:s11] =	ssyncadd.s32 $0xFFFFEC78  }
0x23: {  	[bflag:$0x0] =	sbarrier.arrive $0xFFFF  }
0x24: {  	[tilespmem:s16], [sflag:$0x1] =	stream.indirect.gather [hbm4b:s7+s15], $0x40, s4, s15, $0xb8;
	[tilespmem:$0x19C80] =	vst v63  }
0x25: {  	_ = 	snop  }
0x26: {  	[tilespmem:s17], [sflag:$0x2] =	stream.indirect.gather [hbm4b:s7+s15], $0x40, s15, s15, $0xb8;
	[tilespmem:$0x19C80] =	vst v63  }
0x27: {  	s6 =	simm.s32 $0xA0  }
0x28: {  	[tilespmem:s19], [sflag:$0x3] =	stream.indirect.gather [hbm4b:s7+s15], $0x40, s6, s15, $0xb8;
	[tilespmem:$0x19C80] =	vst v63  }
0x29: {  	s20 =	simm.s32 $0xF0  }
0x2a: {  	[tilespmem:s21], [sflag:$0x4] =	stream.indirect.gather [hbm4b:s7+s15], $0x40, s20, s15, $0xb8;
	[tilespmem:$0x19C80] =	vst v63  }
0x2b: {  	s6 =	simm.s32 $0x140  }
0x2c: {  	[tilespmem:s23], [sflag:$0x5] =	stream.indirect.gather [hbm4b:s7+s15], $0x40, s6, s15, $0xb8;
	[tilespmem:$0x19C80] =	vst v63  }
0x2d: {  	_ =	swait.ge [sflag:s26], $0x1400  }
0x2e: {  	[sflag:s26] =	ssyncset.done $0x0  }
0x2f: {  	s20 =	simm.s32 $0x4E20;
	[sflag:s26] =	ssyncadd.s32 $0xFFFFEC00  }
0x30: {  	[spmem:s2] =	stream.indirect.scatter.add.f32 [tilespmem:s16], [sflag:$0x6], $0x40, s20, s15, $0xb8;
	[tilespmem:$0x19C80] =	vst v63  }
0x31: {  	_ =	swait.ge [sflag:s28], $0x1400  }
0x32: {  	[sflag:s28] =	ssyncset.done $0x0  }
0x33: {  	s6 =	simm.s32 $0x190;
	[sflag:s28] =	ssyncadd.s32 $0xFFFFEC00  }
0x34: {  	[tilespmem:s16], [sflag:$0x1] =	stream.indirect.gather [hbm4b:s7+s15], $0x40, s6, s15, $0xb8;
	[tilespmem:$0x19C80] =	vst v63  }
0x35: {  	_ =	swait.ge [sflag:s29], $0x1400  }
0x36: {  	[sflag:s29] =	ssyncset.done $0x0  }
0x37: {  	s20 =	simm.s32 $0x4E70;
	[sflag:s29] =	ssyncadd.s32 $0xFFFFEC00  }
0x38: {  	[spmem:s2] =	stream.indirect.scatter.add.f32 [tilespmem:s17], [sflag:$0x7], $0x40, s20, s15, $0xb8;
	[tilespmem:$0x19C80] =	vst v63  }
0x39: {  	_ =	swait.ge [sflag:s30], $0x1400  }
0x3a: {  	[sflag:s30] =	ssyncset.done $0x0  }
0x3b: {  	s6 =	simm.s32 $0x1E0;
	[sflag:s30] =	ssyncadd.s32 $0xFFFFEC00  }
0x3c: {  	[tilespmem:s17], [sflag:$0x2] =	stream.indirect.gather [hbm4b:s7+s15], $0x40, s6, s15, $0xb8;
	[tilespmem:$0x19C80] =	vst v63  }
0x3d: {  	_ =	swait.ge [sflag:s31], $0x1400  }
0x3e: {  	[sflag:s31] =	ssyncset.done $0x0  }
0x3f: {  	s20 =	simm.s32 $0x4EC0;
	[sflag:s31] =	ssyncadd.s32 $0xFFFFEC00  }
0x40: {  	[spmem:s2] =	stream.indirect.scatter.add.f32 [tilespmem:s19], [sflag:$0x8], $0x40, s20, s15, $0xb8;
	[tilespmem:$0x19C80] =	vst v63  }
0x41: {  	_ =	swait.ge [sflag:s0], $0x1400  }
0x42: {  	[sflag:s0] =	ssyncset.done $0x0  }
0x43: {  	s6 =	simm.s32 $0x230;
	[sflag:s0] =	ssyncadd.s32 $0xFFFFEC00  }
0x44: {  	[tilespmem:s19], [sflag:$0x3] =	stream.indirect.gather [hbm4b:s7+s15], $0x40, s6, s15, $0xb8;
	[tilespmem:$0x19C80] =	vst v63  }
0x45: {  	_ =	swait.ge [sflag:s3], $0x1400  }
0x46: {  	[sflag:s3] =	ssyncset.done $0x0  }
0x47: {  	s20 =	simm.s32 $0x4F10;
	[sflag:s3] =	ssyncadd.s32 $0xFFFFEC00  }
0x48: {  	[spmem:s2] =	stream.indirect.scatter.add.f32 [tilespmem:s21], [sflag:$0x9], $0x40, s20, s15, $0xb8;
	[tilespmem:$0x19C80] =	vst v63  }
0x49: {  	_ =	swait.ge [sflag:s1], $0x1400  }
0x4a: {  	[sflag:s1] =	ssyncset.done $0x0  }
0x4b: {  	s6 =	simm.s32 $0x280;
	[sflag:s1] =	ssyncadd.s32 $0xFFFFEC00  }
0x4c: {  	[tilespmem:s21], [sflag:$0x4] =	stream.indirect.gather [hbm4b:s7+s15], $0x40, s6, s15, $0xb8;
	[tilespmem:$0x19C80] =	vst v63  }
0x4d: {  	_ =	swait.ge [sflag:s12], $0x1400  }
0x4e: {  	[sflag:s12] =	ssyncset.done $0x0  }
0x4f: {  	s20 =	simm.s32 $0x4F60;
	[sflag:s12] =	ssyncadd.s32 $0xFFFFEC00  }
0x50: {  	[spmem:s2] =	stream.indirect.scatter.add.f32 [tilespmem:s23], [sflag:$0xA], $0x40, s20, s15, $0xb8;
	[tilespmem:$0x19C80] =	vst v63  }
0x51: {  	_ =	swait.ge [sflag:s18], $0x1400  }
0x52: {  	[sflag:s18] =	ssyncset.done $0x0  }
0x53: {  	s5 =	simm.s32 $0x2D0;
	s20 =	simm.s32 $0x640;
	[sflag:s18] =	ssyncadd.s32 $0xFFFFEC00  }
.LBB2_2:
0x54: {  	[tilespmem:s23], [sflag:$0x5] =	stream.indirect.gather [hbm4b:s7+s15], $0x40, s5, s15, $0xb8;
	[tilespmem:$0x19C80] =	vst v63  }
0x55: {  	s5 =	smov.u32 s20  }
0x56: {  	p1 =	sne.s32 s20, $0x12C00;
	s20 =	sadd.s32 $0x640, s20;
	_ =	swait.ge [sflag:s26], $0x1400  }
0x57: {  	s5 =	sshra.s32 s5, $0x2;
	[sflag:s26] =	ssyncset.done $0x0  }
0x58: {  	s6 =	sadd.s32 $0x4E20, s5;
	[sflag:s26] =	ssyncadd.s32 $0xFFFFEC00  }
0x59: {  	[spmem:s2] =	stream.indirect.scatter.add.f32 [tilespmem:s16], [sflag:$0x6], $0x40, s6, s15, $0xb8;
	[tilespmem:$0x19C80] =	vst v63  }
0x5a: {  	_ =	swait.ge [sflag:s28], $0x1400  }
0x5b: {  	[sflag:s28] =	ssyncset.done $0x0  }
0x5c: {  	s6 =	sadd.s32 $0x190, s5;
	[sflag:s28] =	ssyncadd.s32 $0xFFFFEC00  }
0x5d: {  	[tilespmem:s16], [sflag:$0x1] =	stream.indirect.gather [hbm4b:s7+s15], $0x40, s6, s15, $0xb8;
	[tilespmem:$0x19C80] =	vst v63  }
0x5e: {  	_ =	swait.ge [sflag:s29], $0x1400  }
0x5f: {  	[sflag:s29] =	ssyncset.done $0x0  }
0x60: {  	s6 =	sadd.s32 $0x4E70, s5;
	[sflag:s29] =	ssyncadd.s32 $0xFFFFEC00  }
0x61: {  	[spmem:s2] =	stream.indirect.scatter.add.f32 [tilespmem:s17], [sflag:$0x7], $0x40, s6, s15, $0xb8;
	[tilespmem:$0x19C80] =	vst v63  }
0x62: {  	_ =	swait.ge [sflag:s30], $0x1400  }
0x63: {  	[sflag:s30] =	ssyncset.done $0x0  }
0x64: {  	s6 =	sadd.s32 $0x1E0, s5;
	[sflag:s30] =	ssyncadd.s32 $0xFFFFEC00  }
0x65: {  	[tilespmem:s17], [sflag:$0x2] =	stream.indirect.gather [hbm4b:s7+s15], $0x40, s6, s15, $0xb8;
	[tilespmem:$0x19C80] =	vst v63  }
0x66: {  	_ =	swait.ge [sflag:s31], $0x1400  }
0x67: {  	[sflag:s31] =	ssyncset.done $0x0  }
0x68: {  	s6 =	sadd.s32 $0x4EC0, s5;
	[sflag:s31] =	ssyncadd.s32 $0xFFFFEC00  }
0x69: {  	[spmem:s2] =	stream.indirect.scatter.add.f32 [tilespmem:s19], [sflag:$0x8], $0x40, s6, s15, $0xb8;
	[tilespmem:$0x19C80] =	vst v63  }
0x6a: {  	_ =	swait.ge [sflag:s0], $0x1400  }
0x6b: {  	[sflag:s0] =	ssyncset.done $0x0  }
0x6c: {  	s6 =	sadd.s32 $0x230, s5;
	[sflag:s0] =	ssyncadd.s32 $0xFFFFEC00  }
0x6d: {  	[tilespmem:s19], [sflag:$0x3] =	stream.indirect.gather [hbm4b:s7+s15], $0x40, s6, s15, $0xb8;
	[tilespmem:$0x19C80] =	vst v63  }
0x6e: {  	_ =	swait.ge [sflag:s3], $0x1400  }
0x6f: {  	[sflag:s3] =	ssyncset.done $0x0  }
0x70: {  	s6 =	sadd.s32 $0x4F10, s5;
	[sflag:s3] =	ssyncadd.s32 $0xFFFFEC00  }
0x71: {  	[spmem:s2] =	stream.indirect.scatter.add.f32 [tilespmem:s21], [sflag:$0x9], $0x40, s6, s15, $0xb8;
	[tilespmem:$0x19C80] =	vst v63  }
0x72: {  	_ =	swait.ge [sflag:s1], $0x1400  }
0x73: {  	[sflag:s1] =	ssyncset.done $0x0  }
0x74: {  	s6 =	sadd.s32 $0x280, s5;
	[sflag:s1] =	ssyncadd.s32 $0xFFFFEC00  }
0x75: {  	[tilespmem:s21], [sflag:$0x4] =	stream.indirect.gather [hbm4b:s7+s15], $0x40, s6, s15, $0xb8;
	[tilespmem:$0x19C80] =	vst v63  }
0x76: {  	_ =	swait.ge [sflag:s12], $0x1400  }
0x77: {  	[sflag:s12] =	ssyncset.done $0x0  }
.Ltmp0:
0x78: {  	s6 =	sadd.s32 $0x4F60, s5;
	[sflag:s12] =	ssyncadd.s32 $0xFFFFEC00;
	(pc) =	sbr.rel @p1 .LBB2_2-.Ltmp0, $4  }
0x79: {  	[spmem:s2] =	stream.indirect.scatter.add.f32 [tilespmem:s23], [sflag:$0xA], $0x40, s6, s15, $0xb8;
	[tilespmem:$0x19C80] =	vst v63  }
0x7a: {  	_ =	swait.ge [sflag:s18], $0x1400  }
0x7b: {  	[sflag:s18] =	ssyncset.done $0x0  }
0x7c: {  	s5 =	sadd.s32 $0x2D0, s5;
	[sflag:s18] =	ssyncadd.s32 $0xFFFFEC00  }
0x7d: {  	[tilespmem:s23], [sflag:$0x5] =	stream.indirect.gather [hbm4b:s7+s15], $0x40, s5, s15, $0xb8;
	[tilespmem:$0x19C80] =	vst v63  }
0x7e: {  	_ =	swait.ge [sflag:s26], $0x1400  }
0x7f: {  	[sflag:s26] =	ssyncset.done $0x0  }
0x80: {  	s20 =	simm.s32 $0x9AB0;
	[sflag:s26] =	ssyncadd.s32 $0xFFFFEC00  }
0x81: {  	[spmem:s2] =	stream.indirect.scatter.add.f32 [tilespmem:s16], [sflag:$0x6], $0x40, s20, s15, $0xb8;
	[tilespmem:$0x19C80] =	vst v63  }
0x82: {  	_ =	swait.ge [sflag:s28], $0x1400  }
0x83: {  	[sflag:s28] =	ssyncset.done $0x0  }
0x84: {  	[sflag:s28] =	ssyncadd.s32 $0xFFFFEC00  }
0x85: {  	_ =	swait.ge [sflag:s29], $0x1400  }
0x86: {  	[sflag:s29] =	ssyncset.done $0x0  }
0x87: {  	s6 =	simm.s32 $0x9B00;
	[sflag:s29] =	ssyncadd.s32 $0xFFFFEC00  }
0x88: {  	[spmem:s2] =	stream.indirect.scatter.add.f32 [tilespmem:s17], [sflag:$0x7], $0x40, s6, s15, $0xb8;
	[tilespmem:$0x19C80] =	vst v63  }
0x89: {  	_ =	swait.ge [sflag:s30], $0x1400  }
0x8a: {  	[sflag:s30] =	ssyncset.done $0x0  }
0x8b: {  	[sflag:s30] =	ssyncadd.s32 $0xFFFFEC00  }
0x8c: {  	_ =	swait.ge [sflag:s31], $0x1400  }
0x8d: {  	[sflag:s31] =	ssyncset.done $0x0  }
0x8e: {  	s20 =	simm.s32 $0x9B50;
	[sflag:s31] =	ssyncadd.s32 $0xFFFFEC00  }
0x8f: {  	[spmem:s2] =	stream.indirect.scatter.add.f32 [tilespmem:s19], [sflag:$0x8], $0x40, s20, s15, $0xb8;
	[tilespmem:$0x19C80] =	vst v63  }
0x90: {  	_ =	swait.ge [sflag:s0], $0x1400  }
0x91: {  	[sflag:s0] =	ssyncset.done $0x0  }
0x92: {  	[sflag:s0] =	ssyncadd.s32 $0xFFFFEC00  }
0x93: {  	_ =	swait.ge [sflag:s3], $0x1400  }
0x94: {  	[sflag:s3] =	ssyncset.done $0x0  }
0x95: {  	s6 =	simm.s32 $0x9BA0;
	[sflag:s3] =	ssyncadd.s32 $0xFFFFEC00  }
0x96: {  	[spmem:s2] =	stream.indirect.scatter.add.f32 [tilespmem:s21], [sflag:$0x9], $0x40, s6, s15, $0xb8;
	[tilespmem:$0x19C80] =	vst v63  }
0x97: {  	_ =	swait.ge [sflag:s1], $0x1400  }
0x98: {  	[sflag:s1] =	ssyncset.done $0x0  }
0x99: {  	[sflag:s1] =	ssyncadd.s32 $0xFFFFEC00  }
0x9a: {  	_ =	swait.ge [sflag:s12], $0x1400  }
0x9b: {  	[sflag:s12] =	ssyncset.done $0x0  }
0x9c: {  	s20 =	simm.s32 $0x9BF0;
	[sflag:s12] =	ssyncadd.s32 $0xFFFFEC00  }
0x9d: {  	[spmem:s2] =	stream.indirect.scatter.add.f32 [tilespmem:s23], [sflag:$0xA], $0x40, s20, s15, $0xb8;
	[tilespmem:$0x19C80] =	vst v63  }
0x9e: {  	_ =	swait.ge [sflag:s18], $0x1400  }
0x9f: {  	[sflag:s18] =	ssyncset.done $0x0  }
0xa0: {  	[sflag:s18] =	ssyncadd.s32 $0xFFFFEC00  }
0xa1: {  	[bflag:$0x0] =	sbarrier.arrive $0xFFFF  }
0xa2: {  	[hbm:s8], [sflag:s13] =	dma.local [spmem:s24], $0x1380  }
0xa3: {  	s22 =	sadd.s32 $0x1, s22;
	_ =	swait.ge [sflag:s11], $0x1380  }
0xa4: {  	p1 =	sne.s32 s22, s10;
	[sflag:s11] =	ssyncset.done $0x0  }
.Ltmp1:
0xa5: {  	s5 =	simm.s32 @!p0 $0xB;
	[sflag:s11] =	ssyncadd.s32 $0xFFFFEC80;
	(pc) =	sbr.rel @p1 .LBB2_1-.Ltmp1, $4  }
0xa6: {  	[hbm:s9], [sflag:s13] =	dma.local @!p0 [spmem:s25], $0x80  }
0xa7: {  	_ =	swait.ge @!p0 [sflag:s5], $0x80  }
0xa8: {  	[sflag:s5] =	ssyncset.done @!p0 $0x0  }
0xa9: {  	[sflag:s5] =	ssyncadd.s32 @!p0 $0xFFFFFF80  }
0xaa: {  	_ =	sfence.sel $0x180000  }
0xab: {  	[bflag:$0x0] =	sbarrier.arrive $0xFFFF  }
0xac: {  	_ =	strace $0x90000047  }
0xad: {  	s0 =	stileid.u32;
	[bflag:$0x2] =	sbarrier.arrive $0xFFFF  }
0xae: {  	p0 =	sne.s32 s0, $0x0;
	s0 =	rddreg [dreg:$0x3]  }
0xaf: {  	s0 =	sadd.s32 @!p0 $0x100000, s0  }
0xb0: {  	[sflag:s0] =	ssyncadd.tile.s32 @!p0 $0x1;
	_ =	shalt  }
.Lfunc_end2:
_tile_overlayer_lowered:
.L_overlay_start_2:
0xb1: {  	(tag) =	ssettag $0x2  }
0xb2: {  	s0 =	rddreg [dreg:$0x0];
	s2 =	stileid.u32  }
0xb3: {  	s1 =	rddreg [dreg:$0x1];
	p0 =	sne.s32 s2, $0x0  }
0xb4: {  	s3 =	rddreg [dreg:$0x2];
	[bflag:$0x3] =	sbarrier.arrive $0xFFFF;
	s2 =	simm.s32 @!p0 $0x1C0B  }
0xb5: {  	[timem:s3], [sflag:s2] =	dma.local @!p0 [hbm:s0], s1  }
0xb6: {  	s0 =	simm.s32 @!p0 $0xB  }
0xb7: {  	_ =	swait.ge @!p0 [sflag:s0], s1  }
0xb8: {  	s1 =	ssub.s32 @!p0 $0x0, s1;
	[sflag:s0] =	ssyncset.done @!p0 $0x0  }
0xb9: {  	[sflag:s0] =	ssyncadd.s32 @!p0 s1  }
0xba: {  	[bflag:$0x3] =	sbarrier.arrive $0xFFFF  }
0xbb: {  	_ =	shalt  }

// kernel: kernel.9.cloned.1.call-start
scs
__scs_entry_jumppad:
0x0: {  	(pc) =	sbr.rel $0x88, $3  }
0x1: {  	(tag) =	ssettag $0x0;
	lr =	simm.s32 $0x1  }
0x2: {  	[smem:$0x3F93] =	sst lr;
	_ =	strace $0xD0000000  }
0x3: {  	_ = 	snop  }
0x4: {  	_ = 	snop  }
0x5: {  	_ = 	snop  }
0x6: {  	_ = 	snop  }
0x7: {  	_ = 	snop  }
__scs_overlays_trampoline_lowered:
0x8: {  	[smem:$0x3FA2] =	sst s0  }
0x9: {  	[smem:$0x3FA3] =	sst s1  }
0xa: {  	[smem:$0x3FA4] =	sst s2  }
0xb: {  	[smem:$0x3FA5] =	sst s3  }
0xc: {  	[smem:$0x3FA6] =	sst s4  }
0xd: {  	[smem:$0x3FA7] =	sst s5  }
0xe: {  	[smem:$0x3FA8] =	sst s6  }
0xf: {  	[smem:$0x3FA9] =	sst s7  }
0x10: {  	[smem:$0x3FAA] =	sst s8  }
0x11: {  	[smem:$0x3FAB] =	sst s9;
	s0 =	simm.s32 @!p0 $0x0  }
0x12: {  	s1 =	sld [smem:$0x3F91];
	s0 =	simm.s32 @p0 $0x1  }
0x13: {  	[smem:$0x3FAC] =	sst s0;
	s0 =	simm.s32 @!p1 $0x0  }
0x14: {  	s2 =	sld [smem:$0x3F90];
	s0 =	simm.s32 @p1 $0x1  }
0x15: {  	[smem:$0x3FAD] =	sst s0;
	s0 =	simm.s32 @!p2 $0x0  }
0x16: {  	s3 =	sld [smem:$0x3FDB];
	s0 =	simm.s32 @p2 $0x1  }
0x17: {  	s4 =	simm.s32 $0x1BF5;
	[smem:$0x3FAF] =	sst s0  }
0x18: {  	s0 =	sld [smem:$0x3F92];
	_ =	swait.ge [sflag:s4], $0x0  }
0x19: {  	s7 =	sld [smem:$0x3F93]  }
0x1a: {  	s8 =	sadd.s32 $0xFFFFE003, lr  }
0x1b: {  	s9 =	sadd.s32 $0xFFFFFEF7, lr;
	s5 =	simm.s32 $0xFFFFFFFF;
	p2 =	slt.u32 s8, $0xFFFFF086  }
0x1c: {  	p1 =	slt.u32 s9, $0xF7A;
	s5 =	simm.s32 @!p2 $0x0  }
0x1d: {  	s5 =	simm.s32 @p1 $0x1;
	p0 =	seq.s32 s7, s2  }
0x1e: {  	s7 =	smul.u32 @!p0 $0xF7A, s2;
	p2 =	seq.s32 @!p0 s5, $0x0  }
0x1f: {  	s9 =	smul.u32 $0xF7A, s1;
	s8 =	simm.s32 @!p0 $0x1BF5;
	p2 =	por !p2, p0  }
0x20: {  	[sflag:s8] =	ssyncset.s32 @!p0 $0xFFFFF086;
	s6 =	sadd.s32 @!p0 s3, s7;
	s7 =	simm.s32 @!p0 $0x108  }
0x21: {  	s3 =	sadd.s32 s3, s9;
	s6 =	sadd.s32 @!p0 $0x88, s6;
	s7 =	simm.s32 @p2 $0x1082  }
0x22: {  	[simem:s7], [sflag:s8] =	dma.local @!p0 [hbm:s6], $0xF7A  }
0x23: {  	s9 =	sor.u32 $0xD0000000, s2;
	s6 =	simm.s32 $0x108;
	_ =	swait.ge @!p0 [sflag:s8], $0x0  }
0x24: {  	s3 =	sadd.s32 $0x88, s3;
	s6 =	simm.s32 @!p1 $0x1082;
	[sflag:s4] =	ssyncset.s32 $0xFFFFF086  }
0x25: {  	[simem:s6], [sflag:s4] =	dma.local [hbm:s3], $0xF7A  }
0x26: {  	[smem:$0x3F93] =	sst s1;
	(tag) =	ssettag s2;
	_ =	strace s9  }
0x27: {  	s1 =	sld [smem:$0x3FA3]  }
0x28: {  	s2 =	sld [smem:$0x3FA4]  }
0x29: {  	s4 =	sld [smem:$0x3FA6]  }
0x2a: {  	p0 =	seq.s32 s5, $0x0;
	s5 =	sld [smem:$0x3FA7]  }
0x2b: {  	s6 =	sld [smem:$0x3FA8]  }
0x2c: {  	s7 =	sld [smem:$0x3FA9]  }
0x2d: {  	s3 =	simm.s32 $0x108;
	s8 =	sld [smem:$0x3FAA]  }
0x2e: {  	s3 =	simm.s32 @!p0 $0x1082;
	s9 =	sld [smem:$0x3FAB]  }
0x2f: {  	lr =	sadd.s32 s0, s3;
	s0 =	sld [smem:$0x3FA2]  }
0x30: {  	s3 =	sld [smem:$0x3FA5]  }
0x31: {  	[smem:$0x3FAE] =	sst s10  }
0x32: {  	s10 =	sld [smem:$0x3FAC];
	_ =	sdelay $0x3  }
0x33: {  	p0 =	seq.s32 s10, $0x1;
	s10 =	sld [smem:$0x3FAE];
	_ =	sdelay $0x3  }
0x34: {  	[smem:$0x3FAE] =	sst s10  }
0x35: {  	s10 =	sld [smem:$0x3FAD];
	_ =	sdelay $0x3  }
0x36: {  	p1 =	seq.s32 s10, $0x1;
	s10 =	sld [smem:$0x3FAE];
	_ =	sdelay $0x3  }
0x37: {  	[smem:$0x3FAE] =	sst s10  }
0x38: {  	s10 =	sld [smem:$0x3FAF]  }
0x39: {  	_ = 	snop;
	(pc) =	sbr.ind lr, $3  }
0x3a: {  	_ = 	snop  }
0x3b: {  	_ = 	snop  }
0x3c: {  	p2 =	seq.s32 s10, $0x1;
	s10 =	sld [smem:$0x3FAE]  }
0x3d: {  	_ =	shalt  }
0x3e: {  	_ =	shalt  }
0x3f: {  	_ =	shalt  }
0x40: {  	_ =	shalt  }
0x41: {  	_ =	shalt  }
0x42: {  	_ =	shalt  }
0x43: {  	_ =	shalt  }
0x44: {  	_ =	shalt  }
0x45: {  	_ =	shalt  }
0x46: {  	_ =	shalt  }
0x47: {  	_ =	shalt  }
0x48: {  	_ =	shalt  }
0x49: {  	_ =	shalt  }
0x4a: {  	_ =	shalt  }
0x4b: {  	_ =	shalt  }
0x4c: {  	_ =	shalt  }
0x4d: {  	_ =	shalt  }
0x4e: {  	_ =	shalt  }
0x4f: {  	_ =	shalt  }
0x50: {  	_ =	shalt  }
0x51: {  	_ =	shalt  }
0x52: {  	_ =	shalt  }
0x53: {  	_ =	shalt  }
0x54: {  	_ =	shalt  }
0x55: {  	_ =	shalt  }
0x56: {  	_ =	shalt  }
0x57: {  	_ =	shalt  }
0x58: {  	_ =	shalt  }
0x59: {  	_ =	shalt  }
0x5a: {  	_ =	shalt  }
0x5b: {  	_ =	shalt  }
0x5c: {  	_ =	shalt  }
0x5d: {  	_ =	shalt  }
0x5e: {  	_ =	shalt  }
0x5f: {  	_ =	shalt  }
0x60: {  	_ =	shalt  }
0x61: {  	_ =	shalt  }
0x62: {  	_ =	shalt  }
0x63: {  	_ =	shalt  }
0x64: {  	_ =	shalt  }
0x65: {  	_ =	shalt  }
0x66: {  	_ =	shalt  }
0x67: {  	_ =	shalt  }
0x68: {  	_ =	shalt  }
0x69: {  	_ =	shalt  }
0x6a: {  	_ =	shalt  }
0x6b: {  	_ =	shalt  }
0x6c: {  	_ =	shalt  }
0x6d: {  	_ =	shalt  }
0x6e: {  	_ =	shalt  }
0x6f: {  	_ =	shalt  }
0x70: {  	_ =	shalt  }
0x71: {  	_ =	shalt  }
0x72: {  	_ =	shalt  }
0x73: {  	_ =	shalt  }
0x74: {  	_ =	shalt  }
0x75: {  	_ =	shalt  }
0x76: {  	_ =	shalt  }
0x77: {  	_ =	shalt  }
0x78: {  	_ =	shalt  }
0x79: {  	_ =	shalt  }
0x7a: {  	_ =	shalt  }
0x7b: {  	_ =	shalt  }
0x7c: {  	_ =	shalt  }
0x7d: {  	_ =	shalt  }
0x7e: {  	_ =	shalt  }
0x7f: {  	_ =	shalt  }
0x80: {  	_ =	shalt  }
0x81: {  	_ =	shalt  }
0x82: {  	_ =	shalt  }
0x83: {  	_ =	shalt  }
0x84: {  	_ =	shalt  }
0x85: {  	_ =	shalt  }
0x86: {  	_ =	shalt  }
0x87: {  	_ =	shalt  }
.Lfunc_end0:
.L_simem_size_0:
called_computation.1_lowered:
.L_overlay_start_0:
0x88: {  	s2 =	sld [smem:$0x3FD9]  }
0x89: {  	s3 =	sld [smem:$0x3FFE];
	_ =	sdelay $0x1  }
0x8a: {  	s1 =	srdreg.scid  }
0x8b: {  	s0 =	sand.u32 $0x1, s1  }
0x8c: {  	s14 =	sshll.u32 s0, $0xA;
	s2 =	sadd.s32 s3, s2  }
0x8d: {  	s2 =	sadd.s32 s2, s14  }
0x8e: {  	[smem:$0x3FBA] =	sst s2  }
0x8f: {  	_ = 	snop  }
0x90: {  	s2 =	sld [smem:$0x3FD0];
	_ =	sdelay $0x2  }
0x91: {  	s15 =	simm.s32 $0xA;
	s4 =	simm.s32 $0x10  }
0x92: {  	[smem:s4], [sflag:s15] =	dma.local [hbm:s2], $0x1  }
0x93: {  	_ =	swait.eq [sflag:s15], $0x1  }
0x94: {  	[sflag:s15] =	ssyncset.done $0x0  }
0x95: {  	[sflag:s15] =	ssyncadd.s32 $0xFFFFFFFF  }
0x96: {  	s16 =	sld [smem:$0x10];
	(tm) =	ssettm $0x1  }
0x97: {  	s17 =	sld [smem:$0x3FFB];
	_ =	sdelay $0x3  }
0x98: {  	_ =	strace s17  }
0x99: {  	s3 =	sld [smem:$0x3FFC];
	_ =	sdelay $0x3  }
0x9a: {  	_ =	strace s3  }
0x9b: {  	s3 =	sld [smem:$0x3FFD];
	_ =	sdelay $0x3  }
0x9c: {  	_ =	strace s3  }
0x9d: {  	_ =	strace $0x8FFFFFFF  }
0x9e: {  	s18 =	sld [smem:$0x3FDB];
	_ =	sdelay $0x1  }
0x9f: {  	s19 =	simm.s32 $_scs_section_size  }
0xa0: {  	s5 =	simm.s32 $_size__tile_overlayer_lowered;
	s6 =	simm.s32 $_tile_overlayer_lowered  }
0xa1: {  	s22 =	simm.s32 $0x1BFF;
	s21 =	sshll.u32 s6, $0x1;
	s3 =	sadd.s32 s19, s18  }
0xa2: {  	s7 =	simm.s32 $0x0;
	s20 =	sshll.u32 s5, $0x1;
	s5 =	sadd.s32 s21, s3  }
0xa3: {  	[timem:s7], [sflag:s22] =	dma.local [hbm:s5], s20  }
0xa4: {  	_ =	swait.ge [sflag:s22], s20  }
0xa5: {  	s4 =	ssub.s32 $0x0, s20;
	[sflag:s22] =	ssyncset.done $0x0  }
0xa6: {  	[sflag:s22] =	ssyncadd.s32 s4;
	_ =	sdelay $0x1  }
0xa7: {  	s23 =	simm.s32 $0x1B8B  }
0xa8: {  	_ =	swait.ge [sflag:s23], $0x1  }
0xa9: {  	[sflag:s23] =	ssyncset.done $0x0  }
0xaa: {  	s25 =	simm.s32 $0x1B8E;
	s24 =	sld [smem:$0x3FFE];
	[sflag:s23] =	ssyncadd.s32 $0xFFFFFFFF  }
0xab: {  	s26 =	simm.s32 $execute0_lowered;
	[smem:$0x3FD2] =	sst s25  }
0xac: {  	s5 =	sshll.u32 s26, $0x1;
	_ =	strace $0x80000049;
	[dreg:$0x1] =	wrdreg $0xFFFFFFFF  }
0xad: {  	s28 =	simm.s32 $_size_execute0_lowered;
	s3 =	sadd.s32 s3, s5;
	[dreg:$0x0] =	wrdreg $0x0  }
0xae: {  	s5 =	sshll.u32 s28, $0x1;
	[dreg:$0x2] =	wrdreg s3  }
0xaf: {  	[dreg:$0x3] =	wrdreg s5  }
0xb0: {  	[dreg:$0x4] =	wrdreg $0xC0  }
0xb1: {  	_ =	task [dreg:s7], $0x5FFFF  }
0xb2: {  	[dreg:$0x1] =	wrdreg $0xFFFFFFFF  }
0xb3: {  	[dreg:$0x0] =	wrdreg $0x60  }
0xb4: {  	[dreg:$0x2] =	wrdreg s24  }
0xb5: {  	[dreg:$0x3] =	wrdreg s16  }
0xb6: {  	[dreg:$0x4] =	wrdreg $0x100400  }
0xb7: {  	[dreg:$0x5] =	wrdreg $0x9  }
0xb8: {  	_ =	task.clear_ibuf [dreg:s7], $0x6FFFF;
	_ =	strace $0x90000049  }
0xb9: {  	s29 =	simm.s32 $0x9;
	_ =	strace $0x8000004B  }
0xba: {  	_ =	swait.ge [sflag:s29], $0x1  }
0xbb: {  	[sflag:s29] =	ssyncadd.s32 $0xFFFFFFFF  }
0xbc: {  	_ =	strace $0x9000004B  }
0xbd: {  	_ =	sfence  }
0xbe: {  	s30 =	sld [smem:$0x0];
	_ =	sdelay $0x2  }
0xbf: {  	s31 =	sshll.u32 s1, $0xD;
	s1 =	sshrl.u32 s1, $0x2  }
0xc0: {  	s3 =	sand.u32 $0x4000, s31;
	s1 =	sadd.s32 s1, s30  }
0xc1: {  	s0 =	sor.u32 s3, s0;
	s1 =	sshll.u32 s1, $0x11  }
0xc2: {  	s0 =	sor.u32 s1, s0  }
0xc3: {  	s0 =	sadd.s32 $0x8F2B, s0  }
0xc4: {  	[sflag:s0] =	ssyncadd.remote.s32 $0x1  }
0xc5: {  	_ =	sfence.sel $0xFFFF  }
0xc6: {  	[dreg:$0x0] =	wrdreg $0xFFFFFFFF;
	(pc) =	sbr.abs _section_cstart, $3  }
0xc7: {  	[dreg:$0x1] =	wrdreg $0xFFFFFFFF  }
0xc8: {  	_ =	task.clear_ibuf [dreg:s7], $0x2FFFF;
	_ =	strace $0x9FFFFFFF  }
0xc9: {  	(tm) =	ssettm $0x7FFFFFFF  }
tec
execute0_lowered:
.L_overlay_start_1:
0x0: {  	(tag) =	ssettag $0x1  }
0x1: {  	s0 =	rddreg [dreg:$0x0]  }
0x2: {  	s1 =	srdreg.scid;
	s2 =	rddreg [dreg:$0x2];
	s4 =	simm.s32 $0x0  }
0x3: {  	s18 =	stileid.u32;
	s11 =	simm.s32 $0xB;
	s15 =	simm.s32 $0x50  }
0x4: {  	s16 =	simm.s32 $0x9C40;
	s17 =	simm.s32 $0xB040;
	s19 =	simm.s32 $0xC440  }
0x5: {  	s21 =	simm.s32 $0xD840;
	s23 =	simm.s32 $0xEC40;
	s28 =	simm.s32 $0x6  }
0x6: {  	s29 =	simm.s32 $0x2;
	s30 =	simm.s32 $0x7;
	s6 =	smul.u32 $0x9C4, s18  }
0x7: {  	s31 =	simm.s32 $0x3;
	s22 =	simm.s32 $0x0;
	s8 =	smul.u32 $0x27100, s18  }
0x8: {  	s1 =	sand.u32 $0x1, s1;
	[smem:$0x7FF] =	sst s4;
	s10 =	smul.u32 $0x9C00, s18  }
0x9: {  	s26 =	sshll.u32 s18, $0x6;
	p0 =	sne.s32 s18, $0xF;
	s18 =	simm.s32 $0xA  }
0xa: {  	s3 =	smul.u32 $0x9C400, s1;
	_ =	strace $0x8000004A;
	s1 =	ssub.s32 $0x2, s1  }
0xb: {  	s13 =	sor.u32 $0x1C0B, s26;
	s26 =	simm.s32 $0x1;
	s6 =	sadd.s32 s6, s0  }
0xc: {  	s9 =	sshrl.u32 s1, $0x1;
	s8 =	sshrl.u32 s8, $0x2;
	s25 =	sadd.s32 s10, s2  }
0xd: {  	s5 =	sshrl.u32 s3, $0x3;
	s1 =	ssub.s32 s1, s9;
	s24 =	sadd.s32 $0xB800, s6  }
0xe: {  	s6 =	sadd.s32 $0x1A00, s6;
	s3 =	sadd.s32 s10, s3;
	s12 =	sadd.s32 s8, s2  }
0xf: {  	s7 =	sadd.s32 s5, s0;
	s0 =	sadd.s32 $0x15600, s0;
	[dreg:$0x4] =	wrdreg s24  }
0x10: {  	[dreg:$0x5] =	wrdreg s6;
	s3 =	sshrl.u32 s3, $0x3;
	s10 =	smax.u32 s1, $0x1  }
0x11: {  	s14 =	sshrl.u32 s12, $0x3;
	s24 =	sshrl.u32 s25, $0x3;
	s1 =	simm.s32 $0x9  }
0x12: {  	s12 =	simm.s32 $0x5;
	s8 =	sadd.s32 s0, s3;
	s0 =	sadd.s32 s0, s5  }
0x13: {  	s7 =	sadd.s32 $0x63800, s7;
	s9 =	sadd.s32 $0x13800, s0;
	s0 =	sadd.s32 $0x9C000, s2  }
0x14: {  	s3 =	simm.s32 $0x4;
	s25 =	sshrl.u32 @!p0 s0, $0x3;
	s0 =	simm.s32 $0x8  }
.LBB2_1:
0x15: {  	s5 =	rddreg [dreg:$0x4]  }
0x16: {  	[tilespmem:s4], [sflag:$0xB] =	stream.linear.gather [hbm4b:s5+s4], $0x4E20, $0x38;
	[tilespmem:$0x19C80] =	vst v63  }
0x17: {  	_ =	swait.ge [sflag:s11], $0x4E20  }
0x18: {  	[sflag:s11] =	ssyncset.done $0x0  }
0x19: {  	s6 =	simm.s32 $0x4E20;
	s20 =	rddreg [dreg:$0x5];
	[sflag:s11] =	ssyncadd.s32 $0xFFFFB1E0  }
0x1a: {  	[tilespmem:s6], [sflag:$0xB] =	stream.linear.gather [hbm4b:s20+s4], $0x4E20, $0x38;
	[tilespmem:$0x19C80] =	vst v63  }
0x1b: {  	_ =	swait.ge [sflag:s11], $0x4E20  }
0x1c: {  	[sflag:s11] =	ssyncset.done $0x0  }
0x1d: {  	[sflag:s11] =	ssyncadd.s32 $0xFFFFB1E0  }
0x1e: {  	s20 =	rddreg [dreg:$0x1]  }
0x1f: {  	[spmem:s14], [sflag:s13] =	dma.local [hbm:s20], $0x1388  }
0x20: {  	_ =	swait.ge [sflag:s11], $0x1388  }
0x21: {  	[sflag:s11] =	ssyncset.done $0x0  }
0x22: {  	[sflag:s11] =	ssyncadd.s32 $0xFFFFEC78  }
0x23: {  	[bflag:$0x0] =	sbarrier.arrive $0xFFFF  }
0x24: {  	[tilespmem:s16], [sflag:$0x1] =	stream.indirect.gather [hbm4b:s7+s15], $0x40, s4, s15, $0xb8;
	[tilespmem:$0x19C80] =	vst v63  }
0x25: {  	_ = 	snop  }
0x26: {  	[tilespmem:s17], [sflag:$0x2] =	stream.indirect.gather [hbm4b:s7+s15], $0x40, s15, s15, $0xb8;
	[tilespmem:$0x19C80] =	vst v63  }
0x27: {  	s6 =	simm.s32 $0xA0  }
0x28: {  	[tilespmem:s19], [sflag:$0x3] =	stream.indirect.gather [hbm4b:s7+s15], $0x40, s6, s15, $0xb8;
	[tilespmem:$0x19C80] =	vst v63  }
0x29: {  	s20 =	simm.s32 $0xF0  }
0x2a: {  	[tilespmem:s21], [sflag:$0x4] =	stream.indirect.gather [hbm4b:s7+s15], $0x40, s20, s15, $0xb8;
	[tilespmem:$0x19C80] =	vst v63  }
0x2b: {  	s6 =	simm.s32 $0x140  }
0x2c: {  	[tilespmem:s23], [sflag:$0x5] =	stream.indirect.gather [hbm4b:s7+s15], $0x40, s6, s15, $0xb8;
	[tilespmem:$0x19C80] =	vst v63  }
0x2d: {  	_ =	swait.ge [sflag:s26], $0x1400  }
0x2e: {  	[sflag:s26] =	ssyncset.done $0x0  }
0x2f: {  	s20 =	simm.s32 $0x4E20;
	[sflag:s26] =	ssyncadd.s32 $0xFFFFEC00  }
0x30: {  	[spmem:s2] =	stream.indirect.scatter.add.f32 [tilespmem:s16], [sflag:$0x6], $0x40, s20, s15, $0xb8;
	[tilespmem:$0x19C80] =	vst v63  }
0x31: {  	_ =	swait.ge [sflag:s28], $0x1400  }
0x32: {  	[sflag:s28] =	ssyncset.done $0x0  }
0x33: {  	s6 =	simm.s32 $0x190;
	[sflag:s28] =	ssyncadd.s32 $0xFFFFEC00  }
0x34: {  	[tilespmem:s16], [sflag:$0x1] =	stream.indirect.gather [hbm4b:s7+s15], $0x40, s6, s15, $0xb8;
	[tilespmem:$0x19C80] =	vst v63  }
0x35: {  	_ =	swait.ge [sflag:s29], $0x1400  }
0x36: {  	[sflag:s29] =	ssyncset.done $0x0  }
0x37: {  	s20 =	simm.s32 $0x4E70;
	[sflag:s29] =	ssyncadd.s32 $0xFFFFEC00  }
0x38: {  	[spmem:s2] =	stream.indirect.scatter.add.f32 [tilespmem:s17], [sflag:$0x7], $0x40, s20, s15, $0xb8;
	[tilespmem:$0x19C80] =	vst v63  }
0x39: {  	_ =	swait.ge [sflag:s30], $0x1400  }
0x3a: {  	[sflag:s30] =	ssyncset.done $0x0  }
0x3b: {  	s6 =	simm.s32 $0x1E0;
	[sflag:s30] =	ssyncadd.s32 $0xFFFFEC00  }
0x3c: {  	[tilespmem:s17], [sflag:$0x2] =	stream.indirect.gather [hbm4b:s7+s15], $0x40, s6, s15, $0xb8;
	[tilespmem:$0x19C80] =	vst v63  }
0x3d: {  	_ =	swait.ge [sflag:s31], $0x1400  }
0x3e: {  	[sflag:s31] =	ssyncset.done $0x0  }
0x3f: {  	s20 =	simm.s32 $0x4EC0;
	[sflag:s31] =	ssyncadd.s32 $0xFFFFEC00  }
0x40: {  	[spmem:s2] =	stream.indirect.scatter.add.f32 [tilespmem:s19], [sflag:$0x8], $0x40, s20, s15, $0xb8;
	[tilespmem:$0x19C80] =	vst v63  }
0x41: {  	_ =	swait.ge [sflag:s0], $0x1400  }
0x42: {  	[sflag:s0] =	ssyncset.done $0x0  }
0x43: {  	s6 =	simm.s32 $0x230;
	[sflag:s0] =	ssyncadd.s32 $0xFFFFEC00  }
0x44: {  	[tilespmem:s19], [sflag:$0x3] =	stream.indirect.gather [hbm4b:s7+s15], $0x40, s6, s15, $0xb8;
	[tilespmem:$0x19C80] =	vst v63  }
0x45: {  	_ =	swait.ge [sflag:s3], $0x1400  }
0x46: {  	[sflag:s3] =	ssyncset.done $0x0  }
0x47: {  	s20 =	simm.s32 $0x4F10;
	[sflag:s3] =	ssyncadd.s32 $0xFFFFEC00  }
0x48: {  	[spmem:s2] =	stream.indirect.scatter.add.f32 [tilespmem:s21], [sflag:$0x9], $0x40, s20, s15, $0xb8;
	[tilespmem:$0x19C80] =	vst v63  }
0x49: {  	_ =	swait.ge [sflag:s1], $0x1400  }
0x4a: {  	[sflag:s1] =	ssyncset.done $0x0  }
0x4b: {  	s6 =	simm.s32 $0x280;
	[sflag:s1] =	ssyncadd.s32 $0xFFFFEC00  }
0x4c: {  	[tilespmem:s21], [sflag:$0x4] =	stream.indirect.gather [hbm4b:s7+s15], $0x40, s6, s15, $0xb8;
	[tilespmem:$0x19C80] =	vst v63  }
0x4d: {  	_ =	swait.ge [sflag:s12], $0x1400  }
0x4e: {  	[sflag:s12] =	ssyncset.done $0x0  }
0x4f: {  	s20 =	simm.s32 $0x4F60;
	[sflag:s12] =	ssyncadd.s32 $0xFFFFEC00  }
0x50: {  	[spmem:s2] =	stream.indirect.scatter.add.f32 [tilespmem:s23], [sflag:$0xA], $0x40, s20, s15, $0xb8;
	[tilespmem:$0x19C80] =	vst v63  }
0x51: {  	_ =	swait.ge [sflag:s18], $0x1400  }
0x52: {  	[sflag:s18] =	ssyncset.done $0x0  }
0x53: {  	s5 =	simm.s32 $0x2D0;
	s20 =	simm.s32 $0x640;
	[sflag:s18] =	ssyncadd.s32 $0xFFFFEC00  }
.LBB2_2:
0x54: {  	[tilespmem:s23], [sflag:$0x5] =	stream.indirect.gather [hbm4b:s7+s15], $0x40, s5, s15, $0xb8;
	[tilespmem:$0x19C80] =	vst v63  }
0x55: {  	s5 =	smov.u32 s20  }
0x56: {  	p1 =	sne.s32 s20, $0x12C00;
	s20 =	sadd.s32 $0x640, s20;
	_ =	swait.ge [sflag:s26], $0x1400  }
0x57: {  	s5 =	sshra.s32 s5, $0x2;
	[sflag:s26] =	ssyncset.done $0x0  }
0x58: {  	s6 =	sadd.s32 $0x4E20, s5;
	[sflag:s26] =	ssyncadd.s32 $0xFFFFEC00  }
0x59: {  	[spmem:s2] =	stream.indirect.scatter.add.f32 [tilespmem:s16], [sflag:$0x6], $0x40, s6, s15, $0xb8;
	[tilespmem:$0x19C80] =	vst v63  }
0x5a: {  	_ =	swait.ge [sflag:s28], $0x1400  }
0x5b: {  	[sflag:s28] =	ssyncset.done $0x0  }
0x5c: {  	s6 =	sadd.s32 $0x190, s5;
	[sflag:s28] =	ssyncadd.s32 $0xFFFFEC00  }
0x5d: {  	[tilespmem:s16], [sflag:$0x1] =	stream.indirect.gather [hbm4b:s7+s15], $0x40, s6, s15, $0xb8;
	[tilespmem:$0x19C80] =	vst v63  }
0x5e: {  	_ =	swait.ge [sflag:s29], $0x1400  }
0x5f: {  	[sflag:s29] =	ssyncset.done $0x0  }
0x60: {  	s6 =	sadd.s32 $0x4E70, s5;
	[sflag:s29] =	ssyncadd.s32 $0xFFFFEC00  }
0x61: {  	[spmem:s2] =	stream.indirect.scatter.add.f32 [tilespmem:s17], [sflag:$0x7], $0x40, s6, s15, $0xb8;
	[tilespmem:$0x19C80] =	vst v63  }
0x62: {  	_ =	swait.ge [sflag:s30], $0x1400  }
0x63: {  	[sflag:s30] =	ssyncset.done $0x0  }
0x64: {  	s6 =	sadd.s32 $0x1E0, s5;
	[sflag:s30] =	ssyncadd.s32 $0xFFFFEC00  }
0x65: {  	[tilespmem:s17], [sflag:$0x2] =	stream.indirect.gather [hbm4b:s7+s15], $0x40, s6, s15, $0xb8;
	[tilespmem:$0x19C80] =	vst v63  }
0x66: {  	_ =	swait.ge [sflag:s31], $0x1400  }
0x67: {  	[sflag:s31] =	ssyncset.done $0x0  }
0x68: {  	s6 =	sadd.s32 $0x4EC0, s5;
	[sflag:s31] =	ssyncadd.s32 $0xFFFFEC00  }
0x69: {  	[spmem:s2] =	stream.indirect.scatter.add.f32 [tilespmem:s19], [sflag:$0x8], $0x40, s6, s15, $0xb8;
	[tilespmem:$0x19C80] =	vst v63  }
0x6a: {  	_ =	swait.ge [sflag:s0], $0x1400  }
0x6b: {  	[sflag:s0] =	ssyncset.done $0x0  }
0x6c: {  	s6 =	sadd.s32 $0x230, s5;
	[sflag:s0] =	ssyncadd.s32 $0xFFFFEC00  }
0x6d: {  	[tilespmem:s19], [sflag:$0x3] =	stream.indirect.gather [hbm4b:s7+s15], $0x40, s6, s15, $0xb8;
	[tilespmem:$0x19C80] =	vst v63  }
0x6e: {  	_ =	swait.ge [sflag:s3], $0x1400  }
0x6f: {  	[sflag:s3] =	ssyncset.done $0x0  }
0x70: {  	s6 =	sadd.s32 $0x4F10, s5;
	[sflag:s3] =	ssyncadd.s32 $0xFFFFEC00  }
0x71: {  	[spmem:s2] =	stream.indirect.scatter.add.f32 [tilespmem:s21], [sflag:$0x9], $0x40, s6, s15, $0xb8;
	[tilespmem:$0x19C80] =	vst v63  }
0x72: {  	_ =	swait.ge [sflag:s1], $0x1400  }
0x73: {  	[sflag:s1] =	ssyncset.done $0x0  }
0x74: {  	s6 =	sadd.s32 $0x280, s5;
	[sflag:s1] =	ssyncadd.s32 $0xFFFFEC00  }
0x75: {  	[tilespmem:s21], [sflag:$0x4] =	stream.indirect.gather [hbm4b:s7+s15], $0x40, s6, s15, $0xb8;
	[tilespmem:$0x19C80] =	vst v63  }
0x76: {  	_ =	swait.ge [sflag:s12], $0x1400  }
0x77: {  	[sflag:s12] =	ssyncset.done $0x0  }
.Ltmp0:
0x78: {  	s6 =	sadd.s32 $0x4F60, s5;
	[sflag:s12] =	ssyncadd.s32 $0xFFFFEC00;
	(pc) =	sbr.rel @p1 .LBB2_2-.Ltmp0, $4  }
0x79: {  	[spmem:s2] =	stream.indirect.scatter.add.f32 [tilespmem:s23], [sflag:$0xA], $0x40, s6, s15, $0xb8;
	[tilespmem:$0x19C80] =	vst v63  }
0x7a: {  	_ =	swait.ge [sflag:s18], $0x1400  }
0x7b: {  	[sflag:s18] =	ssyncset.done $0x0  }
0x7c: {  	s5 =	sadd.s32 $0x2D0, s5;
	[sflag:s18] =	ssyncadd.s32 $0xFFFFEC00  }
0x7d: {  	[tilespmem:s23], [sflag:$0x5] =	stream.indirect.gather [hbm4b:s7+s15], $0x40, s5, s15, $0xb8;
	[tilespmem:$0x19C80] =	vst v63  }
0x7e: {  	_ =	swait.ge [sflag:s26], $0x1400  }
0x7f: {  	[sflag:s26] =	ssyncset.done $0x0  }
0x80: {  	s20 =	simm.s32 $0x9AB0;
	[sflag:s26] =	ssyncadd.s32 $0xFFFFEC00  }
0x81: {  	[spmem:s2] =	stream.indirect.scatter.add.f32 [tilespmem:s16], [sflag:$0x6], $0x40, s20, s15, $0xb8;
	[tilespmem:$0x19C80] =	vst v63  }
0x82: {  	_ =	swait.ge [sflag:s28], $0x1400  }
0x83: {  	[sflag:s28] =	ssyncset.done $0x0  }
0x84: {  	[sflag:s28] =	ssyncadd.s32 $0xFFFFEC00  }
0x85: {  	_ =	swait.ge [sflag:s29], $0x1400  }
0x86: {  	[sflag:s29] =	ssyncset.done $0x0  }
0x87: {  	s6 =	simm.s32 $0x9B00;
	[sflag:s29] =	ssyncadd.s32 $0xFFFFEC00  }
0x88: {  	[spmem:s2] =	stream.indirect.scatter.add.f32 [tilespmem:s17], [sflag:$0x7], $0x40, s6, s15, $0xb8;
	[tilespmem:$0x19C80] =	vst v63  }
0x89: {  	_ =	swait.ge [sflag:s30], $0x1400  }
0x8a: {  	[sflag:s30] =	ssyncset.done $0x0  }
0x8b: {  	[sflag:s30] =	ssyncadd.s32 $0xFFFFEC00  }
0x8c: {  	_ =	swait.ge [sflag:s31], $0x1400  }
0x8d: {  	[sflag:s31] =	ssyncset.done $0x0  }
0x8e: {  	s20 =	simm.s32 $0x9B50;
	[sflag:s31] =	ssyncadd.s32 $0xFFFFEC00  }
0x8f: {  	[spmem:s2] =	stream.indirect.scatter.add.f32 [tilespmem:s19], [sflag:$0x8], $0x40, s20, s15, $0xb8;
	[tilespmem:$0x19C80] =	vst v63  }
0x90: {  	_ =	swait.ge [sflag:s0], $0x1400  }
0x91: {  	[sflag:s0] =	ssyncset.done $0x0  }
0x92: {  	[sflag:s0] =	ssyncadd.s32 $0xFFFFEC00  }
0x93: {  	_ =	swait.ge [sflag:s3], $0x1400  }
0x94: {  	[sflag:s3] =	ssyncset.done $0x0  }
0x95: {  	s6 =	simm.s32 $0x9BA0;
	[sflag:s3] =	ssyncadd.s32 $0xFFFFEC00  }
0x96: {  	[spmem:s2] =	stream.indirect.scatter.add.f32 [tilespmem:s21], [sflag:$0x9], $0x40, s6, s15, $0xb8;
	[tilespmem:$0x19C80] =	vst v63  }
0x97: {  	_ =	swait.ge [sflag:s1], $0x1400  }
0x98: {  	[sflag:s1] =	ssyncset.done $0x0  }
0x99: {  	[sflag:s1] =	ssyncadd.s32 $0xFFFFEC00  }
0x9a: {  	_ =	swait.ge [sflag:s12], $0x1400  }
0x9b: {  	[sflag:s12] =	ssyncset.done $0x0  }
0x9c: {  	s20 =	simm.s32 $0x9BF0;
	[sflag:s12] =	ssyncadd.s32 $0xFFFFEC00  }
0x9d: {  	[spmem:s2] =	stream.indirect.scatter.add.f32 [tilespmem:s23], [sflag:$0xA], $0x40, s20, s15, $0xb8;
	[tilespmem:$0x19C80] =	vst v63  }
0x9e: {  	_ =	swait.ge [sflag:s18], $0x1400  }
0x9f: {  	[sflag:s18] =	ssyncset.done $0x0  }
0xa0: {  	[sflag:s18] =	ssyncadd.s32 $0xFFFFEC00  }
0xa1: {  	[bflag:$0x0] =	sbarrier.arrive $0xFFFF  }
0xa2: {  	[hbm:s8], [sflag:s13] =	dma.local [spmem:s24], $0x1380  }
0xa3: {  	s22 =	sadd.s32 $0x1, s22;
	_ =	swait.ge [sflag:s11], $0x1380  }
0xa4: {  	p1 =	sne.s32 s22, s10;
	[sflag:s11] =	ssyncset.done $0x0  }
.Ltmp1:
0xa5: {  	s5 =	simm.s32 @!p0 $0xB;
	[sflag:s11] =	ssyncadd.s32 $0xFFFFEC80;
	(pc) =	sbr.rel @p1 .LBB2_1-.Ltmp1, $4  }
0xa6: {  	[hbm:s9], [sflag:s13] =	dma.local @!p0 [spmem:s25], $0x80  }
0xa7: {  	_ =	swait.ge @!p0 [sflag:s5], $0x80  }
0xa8: {  	[sflag:s5] =	ssyncset.done @!p0 $0x0  }
0xa9: {  	[sflag:s5] =	ssyncadd.s32 @!p0 $0xFFFFFF80  }
0xaa: {  	_ =	sfence.sel $0x180000  }
0xab: {  	[bflag:$0x0] =	sbarrier.arrive $0xFFFF  }
0xac: {  	_ =	strace $0x9000004A  }
0xad: {  	s0 =	stileid.u32;
	[bflag:$0x2] =	sbarrier.arrive $0xFFFF  }
0xae: {  	p0 =	sne.s32 s0, $0x0;
	s0 =	rddreg [dreg:$0x3]  }
0xaf: {  	s0 =	sadd.s32 @!p0 $0x100000, s0  }
0xb0: {  	[sflag:s0] =	ssyncadd.tile.s32 @!p0 $0x1;
	_ =	shalt  }
.Lfunc_end2:
_tile_overlayer_lowered:
.L_overlay_start_2:
0xb1: {  	(tag) =	ssettag $0x2  }
0xb2: {  	s0 =	rddreg [dreg:$0x0];
	s2 =	stileid.u32  }
0xb3: {  	s1 =	rddreg [dreg:$0x1];
	p0 =	sne.s32 s2, $0x0  }
0xb4: {  	s3 =	rddreg [dreg:$0x2];
	[bflag:$0x3] =	sbarrier.arrive $0xFFFF;
	s2 =	simm.s32 @!p0 $0x1C0B  }
0xb5: {  	[timem:s3], [sflag:s2] =	dma.local @!p0 [hbm:s0], s1  }
0xb6: {  	s0 =	simm.s32 @!p0 $0xB  }
0xb7: {  	_ =	swait.ge @!p0 [sflag:s0], s1  }
0xb8: {  	s1 =	ssub.s32 @!p0 $0x0, s1;
	[sflag:s0] =	ssyncset.done @!p0 $0x0  }
0xb9: {  	[sflag:s0] =	ssyncadd.s32 @!p0 s1  }
0xba: {  	[bflag:$0x3] =	sbarrier.arrive $0xFFFF  }
0xbb: {  	_ =	shalt  }

</sc_bundles>
